<compile_context>
chip_gen: v7x
topology: tpu7x:2x2x1
jax: 0.10.2.dev20260603
libtpu: 0.0.44.dev20260713+nightly
codegen_flags: <defaults>
</compile_context>

<pallas_src>
import functools

import jax
import jax.numpy as jnp
from jax import lax
from jax.experimental import pallas as pl
from jax.experimental.pallas import tpu as pltpu
from jax.experimental.pallas import tpu_sc as plsc

_N = 10000
_E = 160000
_D = 256
_H = 128
_NC = 2
_NT = 16
_EBS = 128
_PH = 2
_WB = 40
_EPAD = _NT * _PH * _WB * _EBS
_NDIS = 8
_WRT = 624
_WLAST = _N - (_NT - 1) * _WRT
_BN = 2000

_mesh = plsc.VectorSubcoreMesh(core_axis_name="c", subcore_axis_name="s")


@functools.partial(
    pl.kernel,
    out_type=jax.ShapeDtypeStruct((_NC, _N), jnp.float32),
    mesh=_mesh,
    scratch_types=[
        pltpu.VMEM((_PH, _WB, _EBS), jnp.int32),
        pltpu.VMEM((_EBS,), jnp.float32),
        pltpu.VMEM_SHARED((_N,), jnp.float32),
        pltpu.SemaphoreType.DMA,
    ],
)
def _hist_k(src4, dst4, zeros_n, deg_out, idx_v, ones_v, sh_deg, sem):
    c = lax.axis_index("c")
    t = lax.axis_index("s")

    @pl.when(c == 0)
    def _load_src():
        pltpu.sync_copy(src4.at[t], idx_v)

    @pl.when(c == 1)
    def _load_dst():
        pltpu.sync_copy(dst4.at[t], idx_v)

    for k in range(_EBS // 16):
        ones_v[pl.ds(k * 16, 16)] = jnp.ones((16,), jnp.float32)

    @pl.when(t == 0)
    def _zero():
        pltpu.sync_copy(zeros_n, sh_deg)

    plsc.subcore_barrier()

    nb1 = jnp.where(t == _NT - 1, _WB - (_EPAD - _E) // _EBS, _WB)
    for p in range(_PH):
        hi = _WB if p == 0 else nb1

        def body(j, carry):
            pltpu.async_copy(ones_v, sh_deg.at[idx_v.at[p, j]], sem, add=True)
            return carry

        lax.fori_loop(0, hi, body, 0)
    for p in range(_PH):
        hi = _WB if p == 0 else nb1

        def drain(j, carry):
            pltpu.make_async_copy(ones_v, sh_deg.at[idx_v.at[p, j]], sem).wait()
            return carry

        lax.fori_loop(0, hi, drain, 0)
    plsc.subcore_barrier()

    @pl.when(t == 0)
    def _writeout():
        pltpu.sync_copy(sh_deg, deg_out.at[c])


def _mm_body(deg_ref, f_ref, wc_ref, out_ref):
    ns = lax.rsqrt(jnp.maximum(deg_ref[:, 0:1], 1.0))
    res = jnp.dot(
        f_ref[...] * ns,
        wc_ref[...],
        preferred_element_type=jnp.float32,
    )
    out_ref[0] = res[:, :_H]
    out_ref[1] = res[:, _H:]


_mm = pl.pallas_call(
    _mm_body,
    grid=(_N // _BN,),
    in_specs=[
        pl.BlockSpec((_BN, 2), lambda i: (i, 0)),
        pl.BlockSpec((_BN, _D), lambda i: (i, 0)),
        pl.BlockSpec((_D, _D), lambda i: (0, 0)),
    ],
    out_specs=pl.BlockSpec((_NC, _BN, _H), lambda i: (0, i, 0)),
    out_shape=jax.ShapeDtypeStruct((_NC, _N, _H), jnp.float32),
)


@functools.partial(
    pl.kernel,
    out_type=jax.ShapeDtypeStruct((_NC, _N, _H), jnp.float32),
    mesh=_mesh,
    scratch_types=[
        pltpu.VMEM((_WB, _EBS), jnp.int32),
        pltpu.VMEM((_WB, _EBS), jnp.int32),
        pltpu.VMEM((_EBS, _H), jnp.float32),
        pltpu.VMEM((_EBS, _H), jnp.float32),
        pltpu.VMEM_SHARED((_N + _NDIS, _H), jnp.float32),
        pltpu.SemaphoreType.DMA,
        pltpu.SemaphoreType.DMA,
    ],
)
def _scatter_k(g_r, src4, dst4, agg_out,
               sidx, didx, bufa, bufb, sh_acc, sema, semb):
    c = lax.axis_index("c")
    t = lax.axis_index("s")

    def zero_buf(r, carry):
        for k in range(_H // 16):
            bufa[r, pl.ds(k * 16, 16)] = jnp.zeros((16,), jnp.float32)
        return carry

    lax.fori_loop(0, _EBS, zero_buf, 0)
    for k in range(5):
        pltpu.sync_copy(bufa, sh_acc.at[pl.ds(t * _WRT + k * _EBS, _EBS)])
    plsc.subcore_barrier()

    off = c * _N
    for p in range(_PH):
        pltpu.sync_copy(src4.at[t, p], sidx)
        pltpu.sync_copy(dst4.at[t, p], didx)

        def add_off(j, carry):
            for k in range(_EBS // 16):
                sl = pl.ds(k * 16, 16)
                sidx[j, sl] = sidx[j, sl] + off
            return carry

        lax.fori_loop(0, _WB, add_off, 0)
        pltpu.async_copy(g_r.at[sidx.at[0]], bufa, sema)

        def body(j2, carry):
            j = 2 * j2
            pltpu.async_copy(g_r.at[sidx.at[j + 1]], bufb, semb)
            pltpu.make_async_copy(g_r.at[sidx.at[j]], bufa, sema).wait()
            pltpu.sync_copy(bufa, sh_acc.at[didx.at[j]], add=True)
            pltpu.async_copy(g_r.at[sidx.at[j + 2]], bufa, sema)
            pltpu.make_async_copy(g_r.at[sidx.at[j + 1]], bufb, semb).wait()
            pltpu.sync_copy(bufb, sh_acc.at[didx.at[j + 1]], add=True)
            return carry

        lax.fori_loop(0, _WB // 2 - 1, body, 0)
        pltpu.async_copy(g_r.at[sidx.at[_WB - 1]], bufb, semb)
        pltpu.make_async_copy(g_r.at[sidx.at[_WB - 2]], bufa, sema).wait()
        pltpu.sync_copy(bufa, sh_acc.at[didx.at[_WB - 2]], add=True)
        pltpu.make_async_copy(g_r.at[sidx.at[_WB - 1]], bufb, semb).wait()
        pltpu.sync_copy(bufb, sh_acc.at[didx.at[_WB - 1]], add=True)

    plsc.subcore_barrier()

    @pl.when(t < _NT - 1)
    def _wr():
        pltpu.sync_copy(sh_acc.at[pl.ds(t * _WRT, _WRT)],
                        agg_out.at[c, pl.ds(t * _WRT, _WRT)])

    @pl.when(t == _NT - 1)
    def _wr_last():
        pltpu.sync_copy(sh_acc.at[pl.ds((_NT - 1) * _WRT, _WLAST)],
                        agg_out.at[c, pl.ds((_NT - 1) * _WRT, _WLAST)])


def _fin_body(agg_ref, deg_ref, w1_ref, b1_ref, wcls_ref, out_ref, acc_ref):
    i = pl.program_id(0)
    nd = lax.rsqrt(jnp.maximum(deg_ref[:, 1:2], 1.0))
    ones = jnp.ones((1, _BN), jnp.float32)
    x0 = agg_ref[0] * nd
    x0 = jnp.where(x0 >= 0, x0, 0.01 * x0)
    x1 = agg_ref[1] * nd
    x1 = jnp.where(x1 >= 0, x1, 0.01 * x1)
    s0 = lax.dot_general(ones, x0, (((1,), (0,)), ((), ())),
                         preferred_element_type=jnp.float32)
    s1 = lax.dot_general(ones, x1, (((1,), (0,)), ((), ())),
                         preferred_element_type=jnp.float32)

    @pl.when(i == 0)
    def _():
        acc_ref[0:1, 0:_H] = s0
        acc_ref[0:1, _H:_D] = s1

    @pl.when(i > 0)
    def _():
        acc_ref[0:1, 0:_H] += s0
        acc_ref[0:1, _H:_D] += s1

    @pl.when(i == _N // _BN - 1)
    def _finish():
        m = acc_ref[0:1, :]
        mm = lax.dot_general(
            m, w1_ref[...], (((1,), (1,)), ((), ())),
            preferred_element_type=jnp.float32,
            precision=lax.Precision.HIGHEST,
        )
        pooled = mm * (1.0 / _N) + b1_ref[...]
        out_ref[...] = lax.dot_general(
            pooled, wcls_ref[...], (((1,), (1,)), ((), ())),
            preferred_element_type=jnp.float32,
            precision=lax.Precision.HIGHEST,
        )


_fin = pl.pallas_call(
    _fin_body,
    grid=(_N // _BN,),
    in_specs=[
        pl.BlockSpec((_NC, _BN, _H), lambda i: (0, i, 0)),
        pl.BlockSpec((_BN, 2), lambda i: (i, 0)),
        pl.BlockSpec((_D // 2, _D), lambda i: (0, 0)),
        pl.BlockSpec((1, _H), lambda i: (0, 0)),
        pl.BlockSpec((10, _H), lambda i: (0, 0)),
    ],
    out_specs=pl.BlockSpec((1, 10), lambda i: (0, 0)),
    out_shape=jax.ShapeDtypeStruct((1, 10), jnp.float32),
    scratch_shapes=[pltpu.VMEM((8, _D), jnp.float32)],
)


def kernel(features, edge_index, Wc, W1, b1, Wcls):
    src = edge_index[0]
    dst = edge_index[1]
    ar = jnp.arange(_EPAD - _E, dtype=jnp.int32)
    src_p = jnp.concatenate([src, ar % _N])
    dst_p = jnp.concatenate([dst, _N + (ar % _NDIS)])
    src4 = src_p.reshape(_NT, _PH, _WB, _EBS)
    dst4 = dst_p.reshape(_NT, _PH, _WB, _EBS)
    zeros_n = jnp.zeros((_N,), jnp.float32)
    deg = _hist_k(src4, dst4, zeros_n)
    degT = deg.T
    g2 = _mm(degT, features, Wc)
    g_r = g2.reshape(_NC * _N, _H)
    agg2 = _scatter_k(g_r, src4, dst4)
    return _fin(agg2, degT, W1, b1.reshape(1, _H), Wcls)

# --- scband reference (transcript-rebuilt; emitter-appended) ---
"""Pipeline reference for scband-graph-mesh1-conv-classifier-8117488190082 (READ-ONLY COPY).

The authoritative reference and input builder live on the scoring server;
editing this copy changes nothing except your own understanding.
"""

import jax, jax.numpy as jnp
import numpy as np

N = 10000
E = 160000
IN_DIM = 256
HIDDEN = 256
OUT_DIM = 10


def setup_inputs(seed: int = 0) -> dict:
    key = jax.random.key(seed)
    k1, k2, k3, k4, k5 = jax.random.split(key, 5)
    features = jax.random.normal(k1, (N, IN_DIM), dtype=jnp.float32)
    edge_index = jax.random.randint(k2, (2, E), 0, N, dtype=jnp.int32)
    # GraphConv weight [in_dim, hidden], bias=False
    Wc = jax.random.normal(k3, (IN_DIM, HIDDEN), dtype=jnp.float32) * 0.05
    # nn.Linear(hidden, hidden//2)
    W1 = jax.random.normal(k4, (HIDDEN // 2, HIDDEN), dtype=jnp.float32) * 0.05
    b1 = jnp.zeros((HIDDEN // 2,), dtype=jnp.float32)
    # classifier nn.Linear(hidden//2, out_dim, bias=False)
    Wcls = jax.random.normal(k5, (OUT_DIM, HIDDEN // 2), dtype=jnp.float32) * 0.05
    return {"features": features, "edge_index": edge_index, "Wc": Wc, "W1": W1, "b1": b1, "Wcls": Wcls}


def reference(features, edge_index, Wc, W1, b1, Wcls):
    src = edge_index[0]
    dst = edge_index[1]
    ones = jnp.ones((E,), dtype=jnp.float32)
    # DGL GraphConv norm='both': D_out^{-1/2} on src side, D_in^{-1/2} on dst side,
    # degrees clamped to min 1
    deg_out = jax.ops.segment_sum(ones, src, num_segments=N)
    deg_in = jax.ops.segment_sum(ones, dst, num_segments=N)
    norm_src = jnp.power(jnp.clip(deg_out, 1.0, None), -0.5)
    norm_dst = jnp.power(jnp.clip(deg_in, 1.0, None), -0.5)
    h = features * norm_src[:, None]
    agg = jax.ops.segment_sum(h[src], dst, num_segments=N)
    agg = agg * norm_dst[:, None]
    h = agg @ Wc  # conv weight, bias=False
    # LeakyReLU(0.01)
    h = jnp.where(h >= 0, h, 0.01 * h)
    # linear hidden -> hidden//2
    h = h @ W1.T + b1
    # dropout is identity in eval mode
    # dgl.mean_nodes over the single batched graph -> [1, hidden//2]
    pooled = jnp.mean(h, axis=0, keepdims=True)
    # classifier, bias=False
    return pooled @ Wcls.T

if __name__ == "__main__":
    import jax
    _d = setup_inputs()
    print(jax.jit(kernel)(*tuple(_d.values())))

</pallas_src>

<mosaic_0001>
#map = affine_map<(d0, d1) -> (0, 0, 0, 0)>
#map1 = affine_map<(d0, d1) -> (0)>
#map2 = affine_map<(d0, d1) -> (0, 0)>
module attributes {stable_mosaic.version = 14 : i64} {
  func.func @_hist_k(%arg0: i32, %arg1: i32, %arg2: memref<16x2x40x128xi32, #tpu.memory_space<hbm>>, %arg3: memref<16x2x40x128xi32, #tpu.memory_space<hbm>>, %arg4: memref<10000xf32, #tpu.memory_space<hbm>>, %arg5: memref<2x10000xf32, #tpu.memory_space<hbm>>, %arg6: memref<2x40x128xi32, #tpu.memory_space<vmem>>, %arg7: memref<128xf32, #tpu.memory_space<vmem>>, %arg8: memref<10000xf32, #tpu.memory_space<vmem_shared>>, %arg9: memref<!tpu.dma_semaphore, #tpu.memory_space<semaphore_mem>>) attributes {dimension_semantics = [#tpu.dimension_semantics<core_parallel>, #tpu.dimension_semantics<subcore_parallel>], iteration_bounds = array<i64: 2, 16>, scalar_prefetch = 0 : i64, scratch_operands = 4 : i64, tpu.core_type = #tpu.core_type<sc_vector_subcore>, window_params = [{transform_indices = #map}, {transform_indices = #map}, {transform_indices = #map1}, {transform_indices = #map2}]} {
    %eq3A = arith.constant 0 : i32
    %eq3A_0 = arith.cmpi eq, %arg0, %eq3A : i32
    %convert_element_type3A = arith.extui %eq3A_0 : i1 to i32
    %cond3A = arith.constant 0 : i32
    %cond3A_1 = arith.cmpi ne, %convert_element_type3A, %cond3A : i32
    scf.if %cond3A_1 {
      "tpu.region"() ({
        %run_scoped3A = tpu.sem_alloc : memref<!tpu.dma_semaphore, #tpu.memory_space<semaphore_mem>>
        %dma_start3A = arith.constant 0 : i32
        %dma_start3A_97 = arith.constant 0 : i32
        %dma_start3A_98 = arith.constant 0 : i32
        %dma_start3A_99 = tpu.memref_slice %arg2[%arg1, %dma_start3A, %dma_start3A_97, %dma_start3A_98] : memref<16x2x40x128xi32, #tpu.memory_space<hbm>> -> memref<1x2x40x128xi32, #tpu.memory_space<hbm>>
        %dma_start3A_100 = tpu.memref_squeeze %dma_start3A_99 : memref<1x2x40x128xi32, #tpu.memory_space<hbm>> -> memref<2x40x128xi32, #tpu.memory_space<hbm>>
        %dma_start3A_101 = arith.constant 0 : i32
        %dma_start3A_102 = arith.constant 0 : i32
        %dma_start3A_103 = arith.constant 0 : i32
        %dma_start3A_104 = tpu.memref_slice %arg2[%arg1, %dma_start3A_101, %dma_start3A_102, %dma_start3A_103] : memref<16x2x40x128xi32, #tpu.memory_space<hbm>> -> memref<1x2x40x128xi32, #tpu.memory_space<hbm>>
        %dma_start3A_105 = tpu.memref_squeeze %dma_start3A_104 : memref<1x2x40x128xi32, #tpu.memory_space<hbm>> -> memref<2x40x128xi32, #tpu.memory_space<hbm>>
        tpu.enqueue_dma source(%dma_start3A_105 : memref<2x40x128xi32, #tpu.memory_space<hbm>>) target(%arg6 : memref<2x40x128xi32, #tpu.memory_space<vmem>>) target_semaphore(%run_scoped3A : memref<!tpu.dma_semaphore, #tpu.memory_space<semaphore_mem>>)
        %dma_wait3A = arith.constant 0 : i32
        %dma_wait3A_106 = arith.constant 0 : i32
        %dma_wait3A_107 = arith.constant 0 : i32
        %dma_wait3A_108 = tpu.memref_slice %arg2[%arg1, %dma_wait3A, %dma_wait3A_106, %dma_wait3A_107] : memref<16x2x40x128xi32, #tpu.memory_space<hbm>> -> memref<1x2x40x128xi32, #tpu.memory_space<hbm>>
        %dma_wait3A_109 = tpu.memref_squeeze %dma_wait3A_108 : memref<1x2x40x128xi32, #tpu.memory_space<hbm>> -> memref<2x40x128xi32, #tpu.memory_space<hbm>>
        %dma_wait3A_110 = arith.constant 0 : i32
        %dma_wait3A_111 = arith.constant 0 : i32
        %dma_wait3A_112 = arith.constant 0 : i32
        %dma_wait3A_113 = tpu.memref_slice %arg2[%arg1, %dma_wait3A_110, %dma_wait3A_111, %dma_wait3A_112] : memref<16x2x40x128xi32, #tpu.memory_space<hbm>> -> memref<1x2x40x128xi32, #tpu.memory_space<hbm>>
        %dma_wait3A_114 = tpu.memref_squeeze %dma_wait3A_113 : memref<1x2x40x128xi32, #tpu.memory_space<hbm>> -> memref<2x40x128xi32, #tpu.memory_space<hbm>>
        tpu.wait_dma2 semaphore(%run_scoped3A : memref<!tpu.dma_semaphore, #tpu.memory_space<semaphore_mem>>) src(%dma_wait3A_114 : memref<2x40x128xi32, #tpu.memory_space<hbm>>) dst(%arg6 : memref<2x40x128xi32, #tpu.memory_space<vmem>>)
        tpu.yield
      }) : () -> ()
    } else {
    }
    %eq3A_2 = arith.constant 1 : i32
    %eq3A_3 = arith.cmpi eq, %arg0, %eq3A_2 : i32
    %convert_element_type3A_4 = arith.extui %eq3A_3 : i1 to i32
    %cond3A_5 = arith.constant 0 : i32
    %cond3A_6 = arith.cmpi ne, %convert_element_type3A_4, %cond3A_5 : i32
    scf.if %cond3A_6 {
      "tpu.region"() ({
        %run_scoped3A = tpu.sem_alloc : memref<!tpu.dma_semaphore, #tpu.memory_space<semaphore_mem>>
        %dma_start3A = arith.constant 0 : i32
        %dma_start3A_97 = arith.constant 0 : i32
        %dma_start3A_98 = arith.constant 0 : i32
        %dma_start3A_99 = tpu.memref_slice %arg3[%arg1, %dma_start3A, %dma_start3A_97, %dma_start3A_98] : memref<16x2x40x128xi32, #tpu.memory_space<hbm>> -> memref<1x2x40x128xi32, #tpu.memory_space<hbm>>
        %dma_start3A_100 = tpu.memref_squeeze %dma_start3A_99 : memref<1x2x40x128xi32, #tpu.memory_space<hbm>> -> memref<2x40x128xi32, #tpu.memory_space<hbm>>
        %dma_start3A_101 = arith.constant 0 : i32
        %dma_start3A_102 = arith.constant 0 : i32
        %dma_start3A_103 = arith.constant 0 : i32
        %dma_start3A_104 = tpu.memref_slice %arg3[%arg1, %dma_start3A_101, %dma_start3A_102, %dma_start3A_103] : memref<16x2x40x128xi32, #tpu.memory_space<hbm>> -> memref<1x2x40x128xi32, #tpu.memory_space<hbm>>
        %dma_start3A_105 = tpu.memref_squeeze %dma_start3A_104 : memref<1x2x40x128xi32, #tpu.memory_space<hbm>> -> memref<2x40x128xi32, #tpu.memory_space<hbm>>
        tpu.enqueue_dma source(%dma_start3A_105 : memref<2x40x128xi32, #tpu.memory_space<hbm>>) target(%arg6 : memref<2x40x128xi32, #tpu.memory_space<vmem>>) target_semaphore(%run_scoped3A : memref<!tpu.dma_semaphore, #tpu.memory_space<semaphore_mem>>)
        %dma_wait3A = arith.constant 0 : i32
        %dma_wait3A_106 = arith.constant 0 : i32
        %dma_wait3A_107 = arith.constant 0 : i32
        %dma_wait3A_108 = tpu.memref_slice %arg3[%arg1, %dma_wait3A, %dma_wait3A_106, %dma_wait3A_107] : memref<16x2x40x128xi32, #tpu.memory_space<hbm>> -> memref<1x2x40x128xi32, #tpu.memory_space<hbm>>
        %dma_wait3A_109 = tpu.memref_squeeze %dma_wait3A_108 : memref<1x2x40x128xi32, #tpu.memory_space<hbm>> -> memref<2x40x128xi32, #tpu.memory_space<hbm>>
        %dma_wait3A_110 = arith.constant 0 : i32
        %dma_wait3A_111 = arith.constant 0 : i32
        %dma_wait3A_112 = arith.constant 0 : i32
        %dma_wait3A_113 = tpu.memref_slice %arg3[%arg1, %dma_wait3A_110, %dma_wait3A_111, %dma_wait3A_112] : memref<16x2x40x128xi32, #tpu.memory_space<hbm>> -> memref<1x2x40x128xi32, #tpu.memory_space<hbm>>
        %dma_wait3A_114 = tpu.memref_squeeze %dma_wait3A_113 : memref<1x2x40x128xi32, #tpu.memory_space<hbm>> -> memref<2x40x128xi32, #tpu.memory_space<hbm>>
        tpu.wait_dma2 semaphore(%run_scoped3A : memref<!tpu.dma_semaphore, #tpu.memory_space<semaphore_mem>>) src(%dma_wait3A_114 : memref<2x40x128xi32, #tpu.memory_space<hbm>>) dst(%arg6 : memref<2x40x128xi32, #tpu.memory_space<vmem>>)
        tpu.yield
      }) : () -> ()
    } else {
    }
    %broadcast_in_dim3A = arith.constant 1.000000e+00 : f32
    %broadcast_in_dim3A_7 = vector.broadcast %broadcast_in_dim3A : f32 to vector<16xf32>
    %swap3A = arith.constant 0 : index
    %swap3A_8 = tpu.vector_load %arg7[%swap3A] {strides = array<i32>} : memref<128xf32, #tpu.memory_space<vmem>>, vector<16xf32>,
    %swap3A_9 = vector.shape_cast %swap3A_8 : vector<16xf32> to vector<16xf32>
    %swap3A_10 = vector.shape_cast %broadcast_in_dim3A_7 : vector<16xf32> to vector<16xf32>
    tpu.vector_store %arg7[%swap3A], %swap3A_10 {strides = array<i32>} : memref<128xf32, #tpu.memory_space<vmem>>, vector<16xf32>,
    %broadcast_in_dim3A_11 = arith.constant 1.000000e+00 : f32
    %broadcast_in_dim3A_12 = vector.broadcast %broadcast_in_dim3A_11 : f32 to vector<16xf32>
    %swap3A_13 = arith.constant 16 : index
    %swap3A_14 = tpu.vector_load %arg7[%swap3A_13] {strides = array<i32>} : memref<128xf32, #tpu.memory_space<vmem>>, vector<16xf32>,
    %swap3A_15 = vector.shape_cast %swap3A_14 : vector<16xf32> to vector<16xf32>
    %swap3A_16 = vector.shape_cast %broadcast_in_dim3A_12 : vector<16xf32> to vector<16xf32>
    tpu.vector_store %arg7[%swap3A_13], %swap3A_16 {strides = array<i32>} : memref<128xf32, #tpu.memory_space<vmem>>, vector<16xf32>,
    %broadcast_in_dim3A_17 = arith.constant 1.000000e+00 : f32
    %broadcast_in_dim3A_18 = vector.broadcast %broadcast_in_dim3A_17 : f32 to vector<16xf32>
    %swap3A_19 = arith.constant 32 : index
    %swap3A_20 = tpu.vector_load %arg7[%swap3A_19] {strides = array<i32>} : memref<128xf32, #tpu.memory_space<vmem>>, vector<16xf32>,
    %swap3A_21 = vector.shape_cast %swap3A_20 : vector<16xf32> to vector<16xf32>
    %swap3A_22 = vector.shape_cast %broadcast_in_dim3A_18 : vector<16xf32> to vector<16xf32>
    tpu.vector_store %arg7[%swap3A_19], %swap3A_22 {strides = array<i32>} : memref<128xf32, #tpu.memory_space<vmem>>, vector<16xf32>,
    %broadcast_in_dim3A_23 = arith.constant 1.000000e+00 : f32
    %broadcast_in_dim3A_24 = vector.broadcast %broadcast_in_dim3A_23 : f32 to vector<16xf32>
    %swap3A_25 = arith.constant 48 : index
    %swap3A_26 = tpu.vector_load %arg7[%swap3A_25] {strides = array<i32>} : memref<128xf32, #tpu.memory_space<vmem>>, vector<16xf32>,
    %swap3A_27 = vector.shape_cast %swap3A_26 : vector<16xf32> to vector<16xf32>
    %swap3A_28 = vector.shape_cast %broadcast_in_dim3A_24 : vector<16xf32> to vector<16xf32>
    tpu.vector_store %arg7[%swap3A_25], %swap3A_28 {strides = array<i32>} : memref<128xf32, #tpu.memory_space<vmem>>, vector<16xf32>,
    %broadcast_in_dim3A_29 = arith.constant 1.000000e+00 : f32
    %broadcast_in_dim3A_30 = vector.broadcast %broadcast_in_dim3A_29 : f32 to vector<16xf32>
    %swap3A_31 = arith.constant 64 : index
    %swap3A_32 = tpu.vector_load %arg7[%swap3A_31] {strides = array<i32>} : memref<128xf32, #tpu.memory_space<vmem>>, vector<16xf32>,
    %swap3A_33 = vector.shape_cast %swap3A_32 : vector<16xf32> to vector<16xf32>
    %swap3A_34 = vector.shape_cast %broadcast_in_dim3A_30 : vector<16xf32> to vector<16xf32>
    tpu.vector_store %arg7[%swap3A_31], %swap3A_34 {strides = array<i32>} : memref<128xf32, #tpu.memory_space<vmem>>, vector<16xf32>,
    %broadcast_in_dim3A_35 = arith.constant 1.000000e+00 : f32
    %broadcast_in_dim3A_36 = vector.broadcast %broadcast_in_dim3A_35 : f32 to vector<16xf32>
    %swap3A_37 = arith.constant 80 : index
    %swap3A_38 = tpu.vector_load %arg7[%swap3A_37] {strides = array<i32>} : memref<128xf32, #tpu.memory_space<vmem>>, vector<16xf32>,
    %swap3A_39 = vector.shape_cast %swap3A_38 : vector<16xf32> to vector<16xf32>
    %swap3A_40 = vector.shape_cast %broadcast_in_dim3A_36 : vector<16xf32> to vector<16xf32>
    tpu.vector_store %arg7[%swap3A_37], %swap3A_40 {strides = array<i32>} : memref<128xf32, #tpu.memory_space<vmem>>, vector<16xf32>,
    %broadcast_in_dim3A_41 = arith.constant 1.000000e+00 : f32
    %broadcast_in_dim3A_42 = vector.broadcast %broadcast_in_dim3A_41 : f32 to vector<16xf32>
    %swap3A_43 = arith.constant 96 : index
    %swap3A_44 = tpu.vector_load %arg7[%swap3A_43] {strides = array<i32>} : memref<128xf32, #tpu.memory_space<vmem>>, vector<16xf32>,
    %swap3A_45 = vector.shape_cast %swap3A_44 : vector<16xf32> to vector<16xf32>
    %swap3A_46 = vector.shape_cast %broadcast_in_dim3A_42 : vector<16xf32> to vector<16xf32>
    tpu.vector_store %arg7[%swap3A_43], %swap3A_46 {strides = array<i32>} : memref<128xf32, #tpu.memory_space<vmem>>, vector<16xf32>,
    %broadcast_in_dim3A_47 = arith.constant 1.000000e+00 : f32
    %broadcast_in_dim3A_48 = vector.broadcast %broadcast_in_dim3A_47 : f32 to vector<16xf32>
    %swap3A_49 = arith.constant 112 : index
    %swap3A_50 = tpu.vector_load %arg7[%swap3A_49] {strides = array<i32>} : memref<128xf32, #tpu.memory_space<vmem>>, vector<16xf32>,
    %swap3A_51 = vector.shape_cast %swap3A_50 : vector<16xf32> to vector<16xf32>
    %swap3A_52 = vector.shape_cast %broadcast_in_dim3A_48 : vector<16xf32> to vector<16xf32>
    tpu.vector_store %arg7[%swap3A_49], %swap3A_52 {strides = array<i32>} : memref<128xf32, #tpu.memory_space<vmem>>, vector<16xf32>,
    %eq3A_53 = arith.constant 0 : i32
    %eq3A_54 = arith.cmpi eq, %arg1, %eq3A_53 : i32
    %convert_element_type3A_55 = arith.extui %eq3A_54 : i1 to i32
    %cond3A_56 = arith.constant 0 : i32
    %cond3A_57 = arith.cmpi ne, %convert_element_type3A_55, %cond3A_56 : i32
    scf.if %cond3A_57 {
      "tpu.region"() ({
        %run_scoped3A = tpu.sem_alloc : memref<!tpu.dma_semaphore, #tpu.memory_space<semaphore_mem>>
        tpu.enqueue_dma source(%arg4 : memref<10000xf32, #tpu.memory_space<hbm>>) target(%arg8 : memref<10000xf32, #tpu.memory_space<vmem_shared>>) target_semaphore(%run_scoped3A : memref<!tpu.dma_semaphore, #tpu.memory_space<semaphore_mem>>)
        tpu.wait_dma2 semaphore(%run_scoped3A : memref<!tpu.dma_semaphore, #tpu.memory_space<semaphore_mem>>) src(%arg4 : memref<10000xf32, #tpu.memory_space<hbm>>) dst(%arg8 : memref<10000xf32, #tpu.memory_space<vmem_shared>>)
        tpu.yield
      }) : () -> ()
    } else {
    }
    %barrier3A = arith.constant 0 : index
    tpu.barrier barrier_id(%barrier3A)
    %eq3A_58 = arith.constant 15 : i32
    %eq3A_59 = arith.cmpi eq, %arg1, %eq3A_58 : i32
    %jit3A = arith.constant 10 : i32
    %jit3A_60 = arith.constant 40 : i32
    %select_n3A = arith.select %eq3A_59, %jit3A, %jit3A_60 : i32
    %scan3A = arith.constant 0 : i32
    %scan3A_61 = arith.constant 0 : i32
    %scan3A_62 = arith.constant 40 : i32
    %scan3A_63 = arith.addi %scan3A_61, %scan3A_62 : i32
    %scan3A_64 = arith.constant 1 : i32
    scf.for %scan3A_97 = %scan3A_61 to %scan3A_63 step %scan3A_64  : i32 {
      %dma_start3A = arith.constant 0 : i32
      %dma_start3A_98 = arith.constant 0 : i32
      %dma_start3A_99 = tpu.memref_slice %arg6[%dma_start3A, %scan3A_97, %dma_start3A_98] : memref<2x40x128xi32, #tpu.memory_space<vmem>> -> memref<1x1x128xi32, #tpu.memory_space<vmem>>
      %dma_start3A_100 = tpu.memref_squeeze %dma_start3A_99 : memref<1x1x128xi32, #tpu.memory_space<vmem>> -> memref<128xi32, #tpu.memory_space<vmem>>
      %dma_start3A_101 = arith.constant 0 : i32
      %dma_start3A_102 = tpu.memref_slice %arg8[%dma_start3A_101] : memref<10000xf32, #tpu.memory_space<vmem_shared>> -> memref<10000xf32, #tpu.memory_space<vmem_shared>>
      tpu.enqueue_indirect_dma source(%arg7 : memref<128xf32, #tpu.memory_space<vmem>>) target(%dma_start3A_102 : memref<10000xf32, #tpu.memory_space<vmem_shared>>) offsets(%dma_start3A_100 : memref<128xi32, #tpu.memory_space<vmem>>) semaphore(%arg9 : memref<!tpu.dma_semaphore, #tpu.memory_space<semaphore_mem>>) {add = true}
    }
    %scan3A_65 = arith.constant 40 : i32
    %while3A = arith.constant 0 : i32
    %while3A_66 = arith.constant 0 : i32
    %while3A_67 = arith.subi %select_n3A, %while3A_66 : i32
    %while3A_68 = arith.addi %while3A_66, %while3A_67 : i32
    %while3A_69 = arith.constant 1 : i32
    %while3A_70 = arith.divsi %while3A_67, %while3A_69 : i32
    %while3A_71 = arith.muli %while3A_70, %while3A_69 : i32
    %while3A_72 = arith.addi %while3A_66, %while3A_71 : i32
    %while3A_73 = arith.constant 1 : i32
    scf.for %while3A_97 = %while3A_66 to %while3A_72 step %while3A_73  : i32 {
      %dma_start3A = arith.constant 1 : i32
      %dma_start3A_98 = arith.constant 0 : i32
      %dma_start3A_99 = tpu.memref_slice %arg6[%dma_start3A, %while3A_97, %dma_start3A_98] : memref<2x40x128xi32, #tpu.memory_space<vmem>> -> memref<1x1x128xi32, #tpu.memory_space<vmem>>
      %dma_start3A_100 = tpu.memref_squeeze %dma_start3A_99 : memref<1x1x128xi32, #tpu.memory_space<vmem>> -> memref<128xi32, #tpu.memory_space<vmem>>
      %dma_start3A_101 = arith.constant 0 : i32
      %dma_start3A_102 = tpu.memref_slice %arg8[%dma_start3A_101] : memref<10000xf32, #tpu.memory_space<vmem_shared>> -> memref<10000xf32, #tpu.memory_space<vmem_shared>>
      tpu.enqueue_indirect_dma source(%arg7 : memref<128xf32, #tpu.memory_space<vmem>>) target(%dma_start3A_102 : memref<10000xf32, #tpu.memory_space<vmem_shared>>) offsets(%dma_start3A_100 : memref<128xi32, #tpu.memory_space<vmem>>) semaphore(%arg9 : memref<!tpu.dma_semaphore, #tpu.memory_space<semaphore_mem>>) {add = true}
    }
    %while3A_74 = arith.constant 1 : i32
    scf.for %while3A_97 = %while3A_72 to %while3A_68 step %while3A_74  : i32 {
      %dma_start3A = arith.constant 1 : i32
      %dma_start3A_98 = arith.constant 0 : i32
      %dma_start3A_99 = tpu.memref_slice %arg6[%dma_start3A, %while3A_97, %dma_start3A_98] : memref<2x40x128xi32, #tpu.memory_space<vmem>> -> memref<1x1x128xi32, #tpu.memory_space<vmem>>
      %dma_start3A_100 = tpu.memref_squeeze %dma_start3A_99 : memref<1x1x128xi32, #tpu.memory_space<vmem>> -> memref<128xi32, #tpu.memory_space<vmem>>
      %dma_start3A_101 = arith.constant 0 : i32
      %dma_start3A_102 = tpu.memref_slice %arg8[%dma_start3A_101] : memref<10000xf32, #tpu.memory_space<vmem_shared>> -> memref<10000xf32, #tpu.memory_space<vmem_shared>>
      tpu.enqueue_indirect_dma source(%arg7 : memref<128xf32, #tpu.memory_space<vmem>>) target(%dma_start3A_102 : memref<10000xf32, #tpu.memory_space<vmem_shared>>) offsets(%dma_start3A_100 : memref<128xi32, #tpu.memory_space<vmem>>) semaphore(%arg9 : memref<!tpu.dma_semaphore, #tpu.memory_space<semaphore_mem>>) {add = true}
    }
    %scan3A_75 = arith.constant 0 : i32
    %scan3A_76 = arith.constant 0 : i32
    %scan3A_77 = arith.constant 40 : i32
    %scan3A_78 = arith.addi %scan3A_76, %scan3A_77 : i32
    %scan3A_79 = arith.constant 1 : i32
    scf.for %scan3A_97 = %scan3A_76 to %scan3A_78 step %scan3A_79  : i32 {
      %dma_wait3A = arith.constant 0 : i32
      %dma_wait3A_98 = arith.constant 0 : i32
      %dma_wait3A_99 = tpu.memref_slice %arg6[%dma_wait3A, %scan3A_97, %dma_wait3A_98] : memref<2x40x128xi32, #tpu.memory_space<vmem>> -> memref<1x1x128xi32, #tpu.memory_space<vmem>>
      %dma_wait3A_100 = tpu.memref_squeeze %dma_wait3A_99 : memref<1x1x128xi32, #tpu.memory_space<vmem>> -> memref<128xi32, #tpu.memory_space<vmem>>
      %dma_wait3A_101 = arith.constant 0 : i32
      %dma_wait3A_102 = tpu.memref_slice %arg8[%dma_wait3A_101] : memref<10000xf32, #tpu.memory_space<vmem_shared>> -> memref<10000xf32, #tpu.memory_space<vmem_shared>>
      tpu.wait_indirect_dma semaphore(%arg9 : memref<!tpu.dma_semaphore, #tpu.memory_space<semaphore_mem>>) src(%arg7 : memref<128xf32, #tpu.memory_space<vmem>>) dst(%dma_wait3A_102 : memref<10000xf32, #tpu.memory_space<vmem_shared>>)
    }
    %scan3A_80 = arith.constant 40 : i32
    %while3A_81 = arith.constant 0 : i32
    %while3A_82 = arith.constant 0 : i32
    %while3A_83 = arith.subi %select_n3A, %while3A_82 : i32
    %while3A_84 = arith.addi %while3A_82, %while3A_83 : i32
    %while3A_85 = arith.constant 1 : i32
    %while3A_86 = arith.divsi %while3A_83, %while3A_85 : i32
    %while3A_87 = arith.muli %while3A_86, %while3A_85 : i32
    %while3A_88 = arith.addi %while3A_82, %while3A_87 : i32
    %while3A_89 = arith.constant 1 : i32
    scf.for %while3A_97 = %while3A_82 to %while3A_88 step %while3A_89  : i32 {
      %dma_wait3A = arith.constant 1 : i32
      %dma_wait3A_98 = arith.constant 0 : i32
      %dma_wait3A_99 = tpu.memref_slice %arg6[%dma_wait3A, %while3A_97, %dma_wait3A_98] : memref<2x40x128xi32, #tpu.memory_space<vmem>> -> memref<1x1x128xi32, #tpu.memory_space<vmem>>
      %dma_wait3A_100 = tpu.memref_squeeze %dma_wait3A_99 : memref<1x1x128xi32, #tpu.memory_space<vmem>> -> memref<128xi32, #tpu.memory_space<vmem>>
      %dma_wait3A_101 = arith.constant 0 : i32
      %dma_wait3A_102 = tpu.memref_slice %arg8[%dma_wait3A_101] : memref<10000xf32, #tpu.memory_space<vmem_shared>> -> memref<10000xf32, #tpu.memory_space<vmem_shared>>
      tpu.wait_indirect_dma semaphore(%arg9 : memref<!tpu.dma_semaphore, #tpu.memory_space<semaphore_mem>>) src(%arg7 : memref<128xf32, #tpu.memory_space<vmem>>) dst(%dma_wait3A_102 : memref<10000xf32, #tpu.memory_space<vmem_shared>>)
    }
    %while3A_90 = arith.constant 1 : i32
    scf.for %while3A_97 = %while3A_88 to %while3A_84 step %while3A_90  : i32 {
      %dma_wait3A = arith.constant 1 : i32
      %dma_wait3A_98 = arith.constant 0 : i32
      %dma_wait3A_99 = tpu.memref_slice %arg6[%dma_wait3A, %while3A_97, %dma_wait3A_98] : memref<2x40x128xi32, #tpu.memory_space<vmem>> -> memref<1x1x128xi32, #tpu.memory_space<vmem>>
      %dma_wait3A_100 = tpu.memref_squeeze %dma_wait3A_99 : memref<1x1x128xi32, #tpu.memory_space<vmem>> -> memref<128xi32, #tpu.memory_space<vmem>>
      %dma_wait3A_101 = arith.constant 0 : i32
      %dma_wait3A_102 = tpu.memref_slice %arg8[%dma_wait3A_101] : memref<10000xf32, #tpu.memory_space<vmem_shared>> -> memref<10000xf32, #tpu.memory_space<vmem_shared>>
      tpu.wait_indirect_dma semaphore(%arg9 : memref<!tpu.dma_semaphore, #tpu.memory_space<semaphore_mem>>) src(%arg7 : memref<128xf32, #tpu.memory_space<vmem>>) dst(%dma_wait3A_102 : memref<10000xf32, #tpu.memory_space<vmem_shared>>)
    }
    %barrier3A_91 = arith.constant 0 : index
    tpu.barrier barrier_id(%barrier3A_91)
    %eq3A_92 = arith.constant 0 : i32
    %eq3A_93 = arith.cmpi eq, %arg1, %eq3A_92 : i32
    %convert_element_type3A_94 = arith.extui %eq3A_93 : i1 to i32
    %cond3A_95 = arith.constant 0 : i32
    %cond3A_96 = arith.cmpi ne, %convert_element_type3A_94, %cond3A_95 : i32
    scf.if %cond3A_96 {
      "tpu.region"() ({
        %run_scoped3A = tpu.sem_alloc : memref<!tpu.dma_semaphore, #tpu.memory_space<semaphore_mem>>
        %dma_start3A = arith.constant 0 : i32
        %dma_start3A_97 = tpu.memref_slice %arg5[%arg0, %dma_start3A] : memref<2x10000xf32, #tpu.memory_space<hbm>> -> memref<1x10000xf32, #tpu.memory_space<hbm>>
        %dma_start3A_98 = tpu.memref_squeeze %dma_start3A_97 : memref<1x10000xf32, #tpu.memory_space<hbm>> -> memref<10000xf32, #tpu.memory_space<hbm>>
        tpu.enqueue_dma source(%arg8 : memref<10000xf32, #tpu.memory_space<vmem_shared>>) target(%dma_start3A_98 : memref<10000xf32, #tpu.memory_space<hbm>>) target_semaphore(%run_scoped3A : memref<!tpu.dma_semaphore, #tpu.memory_space<semaphore_mem>>)
        %dma_wait3A = arith.constant 0 : i32
        %dma_wait3A_99 = tpu.memref_slice %arg5[%arg0, %dma_wait3A] : memref<2x10000xf32, #tpu.memory_space<hbm>> -> memref<1x10000xf32, #tpu.memory_space<hbm>>
        %dma_wait3A_100 = tpu.memref_squeeze %dma_wait3A_99 : memref<1x10000xf32, #tpu.memory_space<hbm>> -> memref<10000xf32, #tpu.memory_space<hbm>>
        tpu.wait_dma2 semaphore(%run_scoped3A : memref<!tpu.dma_semaphore, #tpu.memory_space<semaphore_mem>>) src(%arg8 : memref<10000xf32, #tpu.memory_space<vmem_shared>>) dst(%dma_wait3A_100 : memref<10000xf32, #tpu.memory_space<hbm>>)
        tpu.yield
      }) : () -> ()
    } else {
    }
    return
  }
}

#map = affine_map<(d0, d1) -> (0, 0)>
#map1 = affine_map<(d0, d1) -> (0, 0, 0, 0)>
#map2 = affine_map<(d0, d1) -> (0, 0, 0)>
module attributes {stable_mosaic.version = 14 : i64} {
  func.func @_scatter_k(%arg0: i32, %arg1: i32, %arg2: memref<20000x128xf32, #tpu.memory_space<hbm>>, %arg3: memref<16x2x40x128xi32, #tpu.memory_space<hbm>>, %arg4: memref<16x2x40x128xi32, #tpu.memory_space<hbm>>, %arg5: memref<2x10000x128xf32, #tpu.memory_space<hbm>>, %arg6: memref<40x128xi32, #tpu.memory_space<vmem>>, %arg7: memref<40x128xi32, #tpu.memory_space<vmem>>, %arg8: memref<128x128xf32, #tpu.memory_space<vmem>>, %arg9: memref<128x128xf32, #tpu.memory_space<vmem>>, %arg10: memref<10008x128xf32, #tpu.memory_space<vmem_shared>>, %arg11: memref<!tpu.dma_semaphore, #tpu.memory_space<semaphore_mem>>, %arg12: memref<!tpu.dma_semaphore, #tpu.memory_space<semaphore_mem>>) attributes {dimension_semantics = [#tpu.dimension_semantics<core_parallel>, #tpu.dimension_semantics<subcore_parallel>], iteration_bounds = array<i64: 2, 16>, scalar_prefetch = 0 : i64, scratch_operands = 7 : i64, tpu.core_type = #tpu.core_type<sc_vector_subcore>, window_params = [{transform_indices = #map}, {transform_indices = #map1}, {transform_indices = #map1}, {transform_indices = #map2}]} {
    %scan3A = arith.constant 0 : i32
    %scan3A_0 = arith.constant 0 : i32
    %scan3A_1 = arith.constant 128 : i32
    %scan3A_2 = arith.addi %scan3A_0, %scan3A_1 : i32
    %scan3A_3 = arith.constant 1 : i32
    scf.for %scan3A_117 = %scan3A_0 to %scan3A_2 step %scan3A_3  : i32 {
      %broadcast_in_dim3A = arith.constant 0.000000e+00 : f32
      %broadcast_in_dim3A_118 = vector.broadcast %broadcast_in_dim3A : f32 to vector<16xf32>
      %swap3A = arith.index_cast %scan3A_117 : i32 to index
      %swap3A_119 = arith.constant 0 : index
      %swap3A_120 = tpu.vector_load %arg8[%swap3A, %swap3A_119] {strides = array<i32>} : memref<128x128xf32, #tpu.memory_space<vmem>>, vector<1x16xf32>,
      %swap3A_121 = vector.shape_cast %swap3A_120 : vector<1x16xf32> to vector<16xf32>
      %swap3A_122 = vector.shape_cast %broadcast_in_dim3A_118 : vector<16xf32> to vector<1x16xf32>
      tpu.vector_store %arg8[%swap3A, %swap3A_119], %swap3A_122 {strides = array<i32>} : memref<128x128xf32, #tpu.memory_space<vmem>>, vector<1x16xf32>,
      %broadcast_in_dim3A_123 = arith.constant 0.000000e+00 : f32
      %broadcast_in_dim3A_124 = vector.broadcast %broadcast_in_dim3A_123 : f32 to vector<16xf32>
      %swap3A_125 = arith.index_cast %scan3A_117 : i32 to index
      %swap3A_126 = arith.constant 16 : index
      %swap3A_127 = tpu.vector_load %arg8[%swap3A_125, %swap3A_126] {strides = array<i32>} : memref<128x128xf32, #tpu.memory_space<vmem>>, vector<1x16xf32>,
      %swap3A_128 = vector.shape_cast %swap3A_127 : vector<1x16xf32> to vector<16xf32>
      %swap3A_129 = vector.shape_cast %broadcast_in_dim3A_124 : vector<16xf32> to vector<1x16xf32>
      tpu.vector_store %arg8[%swap3A_125, %swap3A_126], %swap3A_129 {strides = array<i32>} : memref<128x128xf32, #tpu.memory_space<vmem>>, vector<1x16xf32>,
      %broadcast_in_dim3A_130 = arith.constant 0.000000e+00 : f32
      %broadcast_in_dim3A_131 = vector.broadcast %broadcast_in_dim3A_130 : f32 to vector<16xf32>
      %swap3A_132 = arith.index_cast %scan3A_117 : i32 to index
      %swap3A_133 = arith.constant 32 : index
      %swap3A_134 = tpu.vector_load %arg8[%swap3A_132, %swap3A_133] {strides = array<i32>} : memref<128x128xf32, #tpu.memory_space<vmem>>, vector<1x16xf32>,
      %swap3A_135 = vector.shape_cast %swap3A_134 : vector<1x16xf32> to vector<16xf32>
      %swap3A_136 = vector.shape_cast %broadcast_in_dim3A_131 : vector<16xf32> to vector<1x16xf32>
      tpu.vector_store %arg8[%swap3A_132, %swap3A_133], %swap3A_136 {strides = array<i32>} : memref<128x128xf32, #tpu.memory_space<vmem>>, vector<1x16xf32>,
      %broadcast_in_dim3A_137 = arith.constant 0.000000e+00 : f32
      %broadcast_in_dim3A_138 = vector.broadcast %broadcast_in_dim3A_137 : f32 to vector<16xf32>
      %swap3A_139 = arith.index_cast %scan3A_117 : i32 to index
      %swap3A_140 = arith.constant 48 : index
      %swap3A_141 = tpu.vector_load %arg8[%swap3A_139, %swap3A_140] {strides = array<i32>} : memref<128x128xf32, #tpu.memory_space<vmem>>, vector<1x16xf32>,
      %swap3A_142 = vector.shape_cast %swap3A_141 : vector<1x16xf32> to vector<16xf32>
      %swap3A_143 = vector.shape_cast %broadcast_in_dim3A_138 : vector<16xf32> to vector<1x16xf32>
      tpu.vector_store %arg8[%swap3A_139, %swap3A_140], %swap3A_143 {strides = array<i32>} : memref<128x128xf32, #tpu.memory_space<vmem>>, vector<1x16xf32>,
      %broadcast_in_dim3A_144 = arith.constant 0.000000e+00 : f32
      %broadcast_in_dim3A_145 = vector.broadcast %broadcast_in_dim3A_144 : f32 to vector<16xf32>
      %swap3A_146 = arith.index_cast %scan3A_117 : i32 to index
      %swap3A_147 = arith.constant 64 : index
      %swap3A_148 = tpu.vector_load %arg8[%swap3A_146, %swap3A_147] {strides = array<i32>} : memref<128x128xf32, #tpu.memory_space<vmem>>, vector<1x16xf32>,
      %swap3A_149 = vector.shape_cast %swap3A_148 : vector<1x16xf32> to vector<16xf32>
      %swap3A_150 = vector.shape_cast %broadcast_in_dim3A_145 : vector<16xf32> to vector<1x16xf32>
      tpu.vector_store %arg8[%swap3A_146, %swap3A_147], %swap3A_150 {strides = array<i32>} : memref<128x128xf32, #tpu.memory_space<vmem>>, vector<1x16xf32>,
      %broadcast_in_dim3A_151 = arith.constant 0.000000e+00 : f32
      %broadcast_in_dim3A_152 = vector.broadcast %broadcast_in_dim3A_151 : f32 to vector<16xf32>
      %swap3A_153 = arith.index_cast %scan3A_117 : i32 to index
      %swap3A_154 = arith.constant 80 : index
      %swap3A_155 = tpu.vector_load %arg8[%swap3A_153, %swap3A_154] {strides = array<i32>} : memref<128x128xf32, #tpu.memory_space<vmem>>, vector<1x16xf32>,
      %swap3A_156 = vector.shape_cast %swap3A_155 : vector<1x16xf32> to vector<16xf32>
      %swap3A_157 = vector.shape_cast %broadcast_in_dim3A_152 : vector<16xf32> to vector<1x16xf32>
      tpu.vector_store %arg8[%swap3A_153, %swap3A_154], %swap3A_157 {strides = array<i32>} : memref<128x128xf32, #tpu.memory_space<vmem>>, vector<1x16xf32>,
      %broadcast_in_dim3A_158 = arith.constant 0.000000e+00 : f32
      %broadcast_in_dim3A_159 = vector.broadcast %broadcast_in_dim3A_158 : f32 to vector<16xf32>
      %swap3A_160 = arith.index_cast %scan3A_117 : i32 to index
      %swap3A_161 = arith.constant 96 : index
      %swap3A_162 = tpu.vector_load %arg8[%swap3A_160, %swap3A_161] {strides = array<i32>} : memref<128x128xf32, #tpu.memory_space<vmem>>, vector<1x16xf32>,
      %swap3A_163 = vector.shape_cast %swap3A_162 : vector<1x16xf32> to vector<16xf32>
      %swap3A_164 = vector.shape_cast %broadcast_in_dim3A_159 : vector<16xf32> to vector<1x16xf32>
      tpu.vector_store %arg8[%swap3A_160, %swap3A_161], %swap3A_164 {strides = array<i32>} : memref<128x128xf32, #tpu.memory_space<vmem>>, vector<1x16xf32>,
      %broadcast_in_dim3A_165 = arith.constant 0.000000e+00 : f32
      %broadcast_in_dim3A_166 = vector.broadcast %broadcast_in_dim3A_165 : f32 to vector<16xf32>
      %swap3A_167 = arith.index_cast %scan3A_117 : i32 to index
      %swap3A_168 = arith.constant 112 : index
      %swap3A_169 = tpu.vector_load %arg8[%swap3A_167, %swap3A_168] {strides = array<i32>} : memref<128x128xf32, #tpu.memory_space<vmem>>, vector<1x16xf32>,
      %swap3A_170 = vector.shape_cast %swap3A_169 : vector<1x16xf32> to vector<16xf32>
      %swap3A_171 = vector.shape_cast %broadcast_in_dim3A_166 : vector<16xf32> to vector<1x16xf32>
      tpu.vector_store %arg8[%swap3A_167, %swap3A_168], %swap3A_171 {strides = array<i32>} : memref<128x128xf32, #tpu.memory_space<vmem>>, vector<1x16xf32>,
    }
    %scan3A_4 = arith.constant 128 : i32
    %mul3A = arith.constant 624 : i32
    %mul3A_5 = arith.muli %arg1, %mul3A : i32
    %add3A = arith.constant 0 : i32
    %add3A_6 = arith.addi %mul3A_5, %add3A : i32
    "tpu.region"() ({
      %run_scoped3A_117 = tpu.sem_alloc : memref<!tpu.dma_semaphore, #tpu.memory_space<semaphore_mem>>
      %dma_start3A_118 = arith.constant 0 : i32
      %dma_start3A_119 = tpu.memref_slice %arg10[%add3A_6, %dma_start3A_118] : memref<10008x128xf32, #tpu.memory_space<vmem_shared>> -> memref<128x128xf32, #tpu.memory_space<vmem_shared>>
      %dma_start3A_120 = arith.constant 0 : i32
      %dma_start3A_121 = tpu.memref_slice %arg10[%add3A_6, %dma_start3A_120] : memref<10008x128xf32, #tpu.memory_space<vmem_shared>> -> memref<128x128xf32, #tpu.memory_space<vmem_shared>>
      tpu.enqueue_dma source(%arg8 : memref<128x128xf32, #tpu.memory_space<vmem>>) target(%dma_start3A_121 : memref<128x128xf32, #tpu.memory_space<vmem_shared>>) target_semaphore(%run_scoped3A_117 : memref<!tpu.dma_semaphore, #tpu.memory_space<semaphore_mem>>)
      %dma_wait3A_122 = arith.constant 0 : i32
      %dma_wait3A_123 = tpu.memref_slice %arg10[%add3A_6, %dma_wait3A_122] : memref<10008x128xf32, #tpu.memory_space<vmem_shared>> -> memref<128x128xf32, #tpu.memory_space<vmem_shared>>
      %dma_wait3A_124 = arith.constant 0 : i32
      %dma_wait3A_125 = tpu.memref_slice %arg10[%add3A_6, %dma_wait3A_124] : memref<10008x128xf32, #tpu.memory_space<vmem_shared>> -> memref<128x128xf32, #tpu.memory_space<vmem_shared>>
      tpu.wait_dma2 semaphore(%run_scoped3A_117 : memref<!tpu.dma_semaphore, #tpu.memory_space<semaphore_mem>>) src(%arg8 : memref<128x128xf32, #tpu.memory_space<vmem>>) dst(%dma_wait3A_125 : memref<128x128xf32, #tpu.memory_space<vmem_shared>>)
      tpu.yield
    }) : () -> ()
    %mul3A_7 = arith.constant 624 : i32
    %mul3A_8 = arith.muli %arg1, %mul3A_7 : i32
    %add3A_9 = arith.constant 128 : i32
    %add3A_10 = arith.addi %mul3A_8, %add3A_9 : i32
    "tpu.region"() ({
      %run_scoped3A_117 = tpu.sem_alloc : memref<!tpu.dma_semaphore, #tpu.memory_space<semaphore_mem>>
      %dma_start3A_118 = arith.constant 0 : i32
      %dma_start3A_119 = tpu.memref_slice %arg10[%add3A_10, %dma_start3A_118] : memref<10008x128xf32, #tpu.memory_space<vmem_shared>> -> memref<128x128xf32, #tpu.memory_space<vmem_shared>>
      %dma_start3A_120 = arith.constant 0 : i32
      %dma_start3A_121 = tpu.memref_slice %arg10[%add3A_10, %dma_start3A_120] : memref<10008x128xf32, #tpu.memory_space<vmem_shared>> -> memref<128x128xf32, #tpu.memory_space<vmem_shared>>
      tpu.enqueue_dma source(%arg8 : memref<128x128xf32, #tpu.memory_space<vmem>>) target(%dma_start3A_121 : memref<128x128xf32, #tpu.memory_space<vmem_shared>>) target_semaphore(%run_scoped3A_117 : memref<!tpu.dma_semaphore, #tpu.memory_space<semaphore_mem>>)
      %dma_wait3A_122 = arith.constant 0 : i32
      %dma_wait3A_123 = tpu.memref_slice %arg10[%add3A_10, %dma_wait3A_122] : memref<10008x128xf32, #tpu.memory_space<vmem_shared>> -> memref<128x128xf32, #tpu.memory_space<vmem_shared>>
      %dma_wait3A_124 = arith.constant 0 : i32
      %dma_wait3A_125 = tpu.memref_slice %arg10[%add3A_10, %dma_wait3A_124] : memref<10008x128xf32, #tpu.memory_space<vmem_shared>> -> memref<128x128xf32, #tpu.memory_space<vmem_shared>>
      tpu.wait_dma2 semaphore(%run_scoped3A_117 : memref<!tpu.dma_semaphore, #tpu.memory_space<semaphore_mem>>) src(%arg8 : memref<128x128xf32, #tpu.memory_space<vmem>>) dst(%dma_wait3A_125 : memref<128x128xf32, #tpu.memory_space<vmem_shared>>)
      tpu.yield
    }) : () -> ()
    %mul3A_11 = arith.constant 624 : i32
    %mul3A_12 = arith.muli %arg1, %mul3A_11 : i32
    %add3A_13 = arith.constant 256 : i32
    %add3A_14 = arith.addi %mul3A_12, %add3A_13 : i32
    "tpu.region"() ({
      %run_scoped3A_117 = tpu.sem_alloc : memref<!tpu.dma_semaphore, #tpu.memory_space<semaphore_mem>>
      %dma_start3A_118 = arith.constant 0 : i32
      %dma_start3A_119 = tpu.memref_slice %arg10[%add3A_14, %dma_start3A_118] : memref<10008x128xf32, #tpu.memory_space<vmem_shared>> -> memref<128x128xf32, #tpu.memory_space<vmem_shared>>
      %dma_start3A_120 = arith.constant 0 : i32
      %dma_start3A_121 = tpu.memref_slice %arg10[%add3A_14, %dma_start3A_120] : memref<10008x128xf32, #tpu.memory_space<vmem_shared>> -> memref<128x128xf32, #tpu.memory_space<vmem_shared>>
      tpu.enqueue_dma source(%arg8 : memref<128x128xf32, #tpu.memory_space<vmem>>) target(%dma_start3A_121 : memref<128x128xf32, #tpu.memory_space<vmem_shared>>) target_semaphore(%run_scoped3A_117 : memref<!tpu.dma_semaphore, #tpu.memory_space<semaphore_mem>>)
      %dma_wait3A_122 = arith.constant 0 : i32
      %dma_wait3A_123 = tpu.memref_slice %arg10[%add3A_14, %dma_wait3A_122] : memref<10008x128xf32, #tpu.memory_space<vmem_shared>> -> memref<128x128xf32, #tpu.memory_space<vmem_shared>>
      %dma_wait3A_124 = arith.constant 0 : i32
      %dma_wait3A_125 = tpu.memref_slice %arg10[%add3A_14, %dma_wait3A_124] : memref<10008x128xf32, #tpu.memory_space<vmem_shared>> -> memref<128x128xf32, #tpu.memory_space<vmem_shared>>
      tpu.wait_dma2 semaphore(%run_scoped3A_117 : memref<!tpu.dma_semaphore, #tpu.memory_space<semaphore_mem>>) src(%arg8 : memref<128x128xf32, #tpu.memory_space<vmem>>) dst(%dma_wait3A_125 : memref<128x128xf32, #tpu.memory_space<vmem_shared>>)
      tpu.yield
    }) : () -> ()
    %mul3A_15 = arith.constant 624 : i32
    %mul3A_16 = arith.muli %arg1, %mul3A_15 : i32
    %add3A_17 = arith.constant 384 : i32
    %add3A_18 = arith.addi %mul3A_16, %add3A_17 : i32
    "tpu.region"() ({
      %run_scoped3A_117 = tpu.sem_alloc : memref<!tpu.dma_semaphore, #tpu.memory_space<semaphore_mem>>
      %dma_start3A_118 = arith.constant 0 : i32
      %dma_start3A_119 = tpu.memref_slice %arg10[%add3A_18, %dma_start3A_118] : memref<10008x128xf32, #tpu.memory_space<vmem_shared>> -> memref<128x128xf32, #tpu.memory_space<vmem_shared>>
      %dma_start3A_120 = arith.constant 0 : i32
      %dma_start3A_121 = tpu.memref_slice %arg10[%add3A_18, %dma_start3A_120] : memref<10008x128xf32, #tpu.memory_space<vmem_shared>> -> memref<128x128xf32, #tpu.memory_space<vmem_shared>>
      tpu.enqueue_dma source(%arg8 : memref<128x128xf32, #tpu.memory_space<vmem>>) target(%dma_start3A_121 : memref<128x128xf32, #tpu.memory_space<vmem_shared>>) target_semaphore(%run_scoped3A_117 : memref<!tpu.dma_semaphore, #tpu.memory_space<semaphore_mem>>)
      %dma_wait3A_122 = arith.constant 0 : i32
      %dma_wait3A_123 = tpu.memref_slice %arg10[%add3A_18, %dma_wait3A_122] : memref<10008x128xf32, #tpu.memory_space<vmem_shared>> -> memref<128x128xf32, #tpu.memory_space<vmem_shared>>
      %dma_wait3A_124 = arith.constant 0 : i32
      %dma_wait3A_125 = tpu.memref_slice %arg10[%add3A_18, %dma_wait3A_124] : memref<10008x128xf32, #tpu.memory_space<vmem_shared>> -> memref<128x128xf32, #tpu.memory_space<vmem_shared>>
      tpu.wait_dma2 semaphore(%run_scoped3A_117 : memref<!tpu.dma_semaphore, #tpu.memory_space<semaphore_mem>>) src(%arg8 : memref<128x128xf32, #tpu.memory_space<vmem>>) dst(%dma_wait3A_125 : memref<128x128xf32, #tpu.memory_space<vmem_shared>>)
      tpu.yield
    }) : () -> ()
    %mul3A_19 = arith.constant 624 : i32
    %mul3A_20 = arith.muli %arg1, %mul3A_19 : i32
    %add3A_21 = arith.constant 512 : i32
    %add3A_22 = arith.addi %mul3A_20, %add3A_21 : i32
    "tpu.region"() ({
      %run_scoped3A_117 = tpu.sem_alloc : memref<!tpu.dma_semaphore, #tpu.memory_space<semaphore_mem>>
      %dma_start3A_118 = arith.constant 0 : i32
      %dma_start3A_119 = tpu.memref_slice %arg10[%add3A_22, %dma_start3A_118] : memref<10008x128xf32, #tpu.memory_space<vmem_shared>> -> memref<128x128xf32, #tpu.memory_space<vmem_shared>>
      %dma_start3A_120 = arith.constant 0 : i32
      %dma_start3A_121 = tpu.memref_slice %arg10[%add3A_22, %dma_start3A_120] : memref<10008x128xf32, #tpu.memory_space<vmem_shared>> -> memref<128x128xf32, #tpu.memory_space<vmem_shared>>
      tpu.enqueue_dma source(%arg8 : memref<128x128xf32, #tpu.memory_space<vmem>>) target(%dma_start3A_121 : memref<128x128xf32, #tpu.memory_space<vmem_shared>>) target_semaphore(%run_scoped3A_117 : memref<!tpu.dma_semaphore, #tpu.memory_space<semaphore_mem>>)
      %dma_wait3A_122 = arith.constant 0 : i32
      %dma_wait3A_123 = tpu.memref_slice %arg10[%add3A_22, %dma_wait3A_122] : memref<10008x128xf32, #tpu.memory_space<vmem_shared>> -> memref<128x128xf32, #tpu.memory_space<vmem_shared>>
      %dma_wait3A_124 = arith.constant 0 : i32
      %dma_wait3A_125 = tpu.memref_slice %arg10[%add3A_22, %dma_wait3A_124] : memref<10008x128xf32, #tpu.memory_space<vmem_shared>> -> memref<128x128xf32, #tpu.memory_space<vmem_shared>>
      tpu.wait_dma2 semaphore(%run_scoped3A_117 : memref<!tpu.dma_semaphore, #tpu.memory_space<semaphore_mem>>) src(%arg8 : memref<128x128xf32, #tpu.memory_space<vmem>>) dst(%dma_wait3A_125 : memref<128x128xf32, #tpu.memory_space<vmem_shared>>)
      tpu.yield
    }) : () -> ()
    %barrier3A = arith.constant 0 : index
    tpu.barrier barrier_id(%barrier3A)
    %mul3A_23 = arith.constant 10000 : i32
    %mul3A_24 = arith.muli %arg0, %mul3A_23 : i32
    %run_scoped3A = arith.constant 0 : i32
    "tpu.region"() ({
      %run_scoped3A_117 = tpu.sem_alloc : memref<!tpu.dma_semaphore, #tpu.memory_space<semaphore_mem>>
      %dma_start3A_118 = arith.constant 0 : i32
      %dma_start3A_119 = arith.constant 0 : i32
      %dma_start3A_120 = tpu.memref_slice %arg3[%arg1, %run_scoped3A, %dma_start3A_118, %dma_start3A_119] : memref<16x2x40x128xi32, #tpu.memory_space<hbm>> -> memref<1x1x40x128xi32, #tpu.memory_space<hbm>>
      %dma_start3A_121 = tpu.memref_squeeze %dma_start3A_120 : memref<1x1x40x128xi32, #tpu.memory_space<hbm>> -> memref<40x128xi32, #tpu.memory_space<hbm>>
      %dma_start3A_122 = arith.constant 0 : i32
      %dma_start3A_123 = arith.constant 0 : i32
      %dma_start3A_124 = tpu.memref_slice %arg3[%arg1, %run_scoped3A, %dma_start3A_122, %dma_start3A_123] : memref<16x2x40x128xi32, #tpu.memory_space<hbm>> -> memref<1x1x40x128xi32, #tpu.memory_space<hbm>>
      %dma_start3A_125 = tpu.memref_squeeze %dma_start3A_124 : memref<1x1x40x128xi32, #tpu.memory_space<hbm>> -> memref<40x128xi32, #tpu.memory_space<hbm>>
      tpu.enqueue_dma source(%dma_start3A_125 : memref<40x128xi32, #tpu.memory_space<hbm>>) target(%arg6 : memref<40x128xi32, #tpu.memory_space<vmem>>) target_semaphore(%run_scoped3A_117 : memref<!tpu.dma_semaphore, #tpu.memory_space<semaphore_mem>>)
      %dma_wait3A_126 = arith.constant 0 : i32
      %dma_wait3A_127 = arith.constant 0 : i32
      %dma_wait3A_128 = tpu.memref_slice %arg3[%arg1, %run_scoped3A, %dma_wait3A_126, %dma_wait3A_127] : memref<16x2x40x128xi32, #tpu.memory_space<hbm>> -> memref<1x1x40x128xi32, #tpu.memory_space<hbm>>
      %dma_wait3A_129 = tpu.memref_squeeze %dma_wait3A_128 : memref<1x1x40x128xi32, #tpu.memory_space<hbm>> -> memref<40x128xi32, #tpu.memory_space<hbm>>
      %dma_wait3A_130 = arith.constant 0 : i32
      %dma_wait3A_131 = arith.constant 0 : i32
      %dma_wait3A_132 = tpu.memref_slice %arg3[%arg1, %run_scoped3A, %dma_wait3A_130, %dma_wait3A_131] : memref<16x2x40x128xi32, #tpu.memory_space<hbm>> -> memref<1x1x40x128xi32, #tpu.memory_space<hbm>>
      %dma_wait3A_133 = tpu.memref_squeeze %dma_wait3A_132 : memref<1x1x40x128xi32, #tpu.memory_space<hbm>> -> memref<40x128xi32, #tpu.memory_space<hbm>>
      tpu.wait_dma2 semaphore(%run_scoped3A_117 : memref<!tpu.dma_semaphore, #tpu.memory_space<semaphore_mem>>) src(%dma_wait3A_133 : memref<40x128xi32, #tpu.memory_space<hbm>>) dst(%arg6 : memref<40x128xi32, #tpu.memory_space<vmem>>)
      tpu.yield
    }) : () -> ()
    %run_scoped3A_25 = arith.constant 0 : i32
    "tpu.region"() ({
      %run_scoped3A_117 = tpu.sem_alloc : memref<!tpu.dma_semaphore, #tpu.memory_space<semaphore_mem>>
      %dma_start3A_118 = arith.constant 0 : i32
      %dma_start3A_119 = arith.constant 0 : i32
      %dma_start3A_120 = tpu.memref_slice %arg4[%arg1, %run_scoped3A_25, %dma_start3A_118, %dma_start3A_119] : memref<16x2x40x128xi32, #tpu.memory_space<hbm>> -> memref<1x1x40x128xi32, #tpu.memory_space<hbm>>
      %dma_start3A_121 = tpu.memref_squeeze %dma_start3A_120 : memref<1x1x40x128xi32, #tpu.memory_space<hbm>> -> memref<40x128xi32, #tpu.memory_space<hbm>>
      %dma_start3A_122 = arith.constant 0 : i32
      %dma_start3A_123 = arith.constant 0 : i32
      %dma_start3A_124 = tpu.memref_slice %arg4[%arg1, %run_scoped3A_25, %dma_start3A_122, %dma_start3A_123] : memref<16x2x40x128xi32, #tpu.memory_space<hbm>> -> memref<1x1x40x128xi32, #tpu.memory_space<hbm>>
      %dma_start3A_125 = tpu.memref_squeeze %dma_start3A_124 : memref<1x1x40x128xi32, #tpu.memory_space<hbm>> -> memref<40x128xi32, #tpu.memory_space<hbm>>
      tpu.enqueue_dma source(%dma_start3A_125 : memref<40x128xi32, #tpu.memory_space<hbm>>) target(%arg7 : memref<40x128xi32, #tpu.memory_space<vmem>>) target_semaphore(%run_scoped3A_117 : memref<!tpu.dma_semaphore, #tpu.memory_space<semaphore_mem>>)
      %dma_wait3A_126 = arith.constant 0 : i32
      %dma_wait3A_127 = arith.constant 0 : i32
      %dma_wait3A_128 = tpu.memref_slice %arg4[%arg1, %run_scoped3A_25, %dma_wait3A_126, %dma_wait3A_127] : memref<16x2x40x128xi32, #tpu.memory_space<hbm>> -> memref<1x1x40x128xi32, #tpu.memory_space<hbm>>
      %dma_wait3A_129 = tpu.memref_squeeze %dma_wait3A_128 : memref<1x1x40x128xi32, #tpu.memory_space<hbm>> -> memref<40x128xi32, #tpu.memory_space<hbm>>
      %dma_wait3A_130 = arith.constant 0 : i32
      %dma_wait3A_131 = arith.constant 0 : i32
      %dma_wait3A_132 = tpu.memref_slice %arg4[%arg1, %run_scoped3A_25, %dma_wait3A_130, %dma_wait3A_131] : memref<16x2x40x128xi32, #tpu.memory_space<hbm>> -> memref<1x1x40x128xi32, #tpu.memory_space<hbm>>
      %dma_wait3A_133 = tpu.memref_squeeze %dma_wait3A_132 : memref<1x1x40x128xi32, #tpu.memory_space<hbm>> -> memref<40x128xi32, #tpu.memory_space<hbm>>
      tpu.wait_dma2 semaphore(%run_scoped3A_117 : memref<!tpu.dma_semaphore, #tpu.memory_space<semaphore_mem>>) src(%dma_wait3A_133 : memref<40x128xi32, #tpu.memory_space<hbm>>) dst(%arg7 : memref<40x128xi32, #tpu.memory_space<vmem>>)
      tpu.yield
    }) : () -> ()
    %scan3A_26 = arith.constant 0 : i32
    %scan3A_27 = arith.constant 0 : i32
    %scan3A_28 = arith.constant 40 : i32
    %scan3A_29 = arith.addi %scan3A_27, %scan3A_28 : i32
    %scan3A_30 = arith.constant 1 : i32
    scf.for %scan3A_117 = %scan3A_27 to %scan3A_29 step %scan3A_30  : i32 {
      %get3A = arith.index_cast %scan3A_117 : i32 to index
      %get3A_118 = arith.constant 0 : index
      %get3A_119 = tpu.vector_load %arg6[%get3A, %get3A_118] {strides = array<i32>} : memref<40x128xi32, #tpu.memory_space<vmem>>, vector<1x16xi32>,
      %get3A_120 = vector.shape_cast %get3A_119 : vector<1x16xi32> to vector<16xi32>
      %add3A_121 = vector.broadcast %mul3A_24 : i32 to vector<16xi32>
      %add3A_122 = arith.addi %get3A_120, %add3A_121 : vector<16xi32>
      %swap3A = arith.index_cast %scan3A_117 : i32 to index
      %swap3A_123 = arith.constant 0 : index
      %swap3A_124 = tpu.vector_load %arg6[%swap3A, %swap3A_123] {strides = array<i32>} : memref<40x128xi32, #tpu.memory_space<vmem>>, vector<1x16xi32>,
      %swap3A_125 = vector.shape_cast %swap3A_124 : vector<1x16xi32> to vector<16xi32>
      %swap3A_126 = vector.shape_cast %add3A_122 : vector<16xi32> to vector<1x16xi32>
      tpu.vector_store %arg6[%swap3A, %swap3A_123], %swap3A_126 {strides = array<i32>} : memref<40x128xi32, #tpu.memory_space<vmem>>, vector<1x16xi32>,
      %get3A_127 = arith.index_cast %scan3A_117 : i32 to index
      %get3A_128 = arith.constant 16 : index
      %get3A_129 = tpu.vector_load %arg6[%get3A_127, %get3A_128] {strides = array<i32>} : memref<40x128xi32, #tpu.memory_space<vmem>>, vector<1x16xi32>,
      %get3A_130 = vector.shape_cast %get3A_129 : vector<1x16xi32> to vector<16xi32>
      %add3A_131 = vector.broadcast %mul3A_24 : i32 to vector<16xi32>
      %add3A_132 = arith.addi %get3A_130, %add3A_131 : vector<16xi32>
      %swap3A_133 = arith.index_cast %scan3A_117 : i32 to index
      %swap3A_134 = arith.constant 16 : index
      %swap3A_135 = tpu.vector_load %arg6[%swap3A_133, %swap3A_134] {strides = array<i32>} : memref<40x128xi32, #tpu.memory_space<vmem>>, vector<1x16xi32>,
      %swap3A_136 = vector.shape_cast %swap3A_135 : vector<1x16xi32> to vector<16xi32>
      %swap3A_137 = vector.shape_cast %add3A_132 : vector<16xi32> to vector<1x16xi32>
      tpu.vector_store %arg6[%swap3A_133, %swap3A_134], %swap3A_137 {strides = array<i32>} : memref<40x128xi32, #tpu.memory_space<vmem>>, vector<1x16xi32>,
      %get3A_138 = arith.index_cast %scan3A_117 : i32 to index
      %get3A_139 = arith.constant 32 : index
      %get3A_140 = tpu.vector_load %arg6[%get3A_138, %get3A_139] {strides = array<i32>} : memref<40x128xi32, #tpu.memory_space<vmem>>, vector<1x16xi32>,
      %get3A_141 = vector.shape_cast %get3A_140 : vector<1x16xi32> to vector<16xi32>
      %add3A_142 = vector.broadcast %mul3A_24 : i32 to vector<16xi32>
      %add3A_143 = arith.addi %get3A_141, %add3A_142 : vector<16xi32>
      %swap3A_144 = arith.index_cast %scan3A_117 : i32 to index
      %swap3A_145 = arith.constant 32 : index
      %swap3A_146 = tpu.vector_load %arg6[%swap3A_144, %swap3A_145] {strides = array<i32>} : memref<40x128xi32, #tpu.memory_space<vmem>>, vector<1x16xi32>,
      %swap3A_147 = vector.shape_cast %swap3A_146 : vector<1x16xi32> to vector<16xi32>
      %swap3A_148 = vector.shape_cast %add3A_143 : vector<16xi32> to vector<1x16xi32>
      tpu.vector_store %arg6[%swap3A_144, %swap3A_145], %swap3A_148 {strides = array<i32>} : memref<40x128xi32, #tpu.memory_space<vmem>>, vector<1x16xi32>,
      %get3A_149 = arith.index_cast %scan3A_117 : i32 to index
      %get3A_150 = arith.constant 48 : index
      %get3A_151 = tpu.vector_load %arg6[%get3A_149, %get3A_150] {strides = array<i32>} : memref<40x128xi32, #tpu.memory_space<vmem>>, vector<1x16xi32>,
      %get3A_152 = vector.shape_cast %get3A_151 : vector<1x16xi32> to vector<16xi32>
      %add3A_153 = vector.broadcast %mul3A_24 : i32 to vector<16xi32>
      %add3A_154 = arith.addi %get3A_152, %add3A_153 : vector<16xi32>
      %swap3A_155 = arith.index_cast %scan3A_117 : i32 to index
      %swap3A_156 = arith.constant 48 : index
      %swap3A_157 = tpu.vector_load %arg6[%swap3A_155, %swap3A_156] {strides = array<i32>} : memref<40x128xi32, #tpu.memory_space<vmem>>, vector<1x16xi32>,
      %swap3A_158 = vector.shape_cast %swap3A_157 : vector<1x16xi32> to vector<16xi32>
      %swap3A_159 = vector.shape_cast %add3A_154 : vector<16xi32> to vector<1x16xi32>
      tpu.vector_store %arg6[%swap3A_155, %swap3A_156], %swap3A_159 {strides = array<i32>} : memref<40x128xi32, #tpu.memory_space<vmem>>, vector<1x16xi32>,
      %get3A_160 = arith.index_cast %scan3A_117 : i32 to index
      %get3A_161 = arith.constant 64 : index
      %get3A_162 = tpu.vector_load %arg6[%get3A_160, %get3A_161] {strides = array<i32>} : memref<40x128xi32, #tpu.memory_space<vmem>>, vector<1x16xi32>,
      %get3A_163 = vector.shape_cast %get3A_162 : vector<1x16xi32> to vector<16xi32>
      %add3A_164 = vector.broadcast %mul3A_24 : i32 to vector<16xi32>
      %add3A_165 = arith.addi %get3A_163, %add3A_164 : vector<16xi32>
      %swap3A_166 = arith.index_cast %scan3A_117 : i32 to index
      %swap3A_167 = arith.constant 64 : index
      %swap3A_168 = tpu.vector_load %arg6[%swap3A_166, %swap3A_167] {strides = array<i32>} : memref<40x128xi32, #tpu.memory_space<vmem>>, vector<1x16xi32>,
      %swap3A_169 = vector.shape_cast %swap3A_168 : vector<1x16xi32> to vector<16xi32>
      %swap3A_170 = vector.shape_cast %add3A_165 : vector<16xi32> to vector<1x16xi32>
      tpu.vector_store %arg6[%swap3A_166, %swap3A_167], %swap3A_170 {strides = array<i32>} : memref<40x128xi32, #tpu.memory_space<vmem>>, vector<1x16xi32>,
      %get3A_171 = arith.index_cast %scan3A_117 : i32 to index
      %get3A_172 = arith.constant 80 : index
      %get3A_173 = tpu.vector_load %arg6[%get3A_171, %get3A_172] {strides = array<i32>} : memref<40x128xi32, #tpu.memory_space<vmem>>, vector<1x16xi32>,
      %get3A_174 = vector.shape_cast %get3A_173 : vector<1x16xi32> to vector<16xi32>
      %add3A_175 = vector.broadcast %mul3A_24 : i32 to vector<16xi32>
      %add3A_176 = arith.addi %get3A_174, %add3A_175 : vector<16xi32>
      %swap3A_177 = arith.index_cast %scan3A_117 : i32 to index
      %swap3A_178 = arith.constant 80 : index
      %swap3A_179 = tpu.vector_load %arg6[%swap3A_177, %swap3A_178] {strides = array<i32>} : memref<40x128xi32, #tpu.memory_space<vmem>>, vector<1x16xi32>,
      %swap3A_180 = vector.shape_cast %swap3A_179 : vector<1x16xi32> to vector<16xi32>
      %swap3A_181 = vector.shape_cast %add3A_176 : vector<16xi32> to vector<1x16xi32>
      tpu.vector_store %arg6[%swap3A_177, %swap3A_178], %swap3A_181 {strides = array<i32>} : memref<40x128xi32, #tpu.memory_space<vmem>>, vector<1x16xi32>,
      %get3A_182 = arith.index_cast %scan3A_117 : i32 to index
      %get3A_183 = arith.constant 96 : index
      %get3A_184 = tpu.vector_load %arg6[%get3A_182, %get3A_183] {strides = array<i32>} : memref<40x128xi32, #tpu.memory_space<vmem>>, vector<1x16xi32>,
      %get3A_185 = vector.shape_cast %get3A_184 : vector<1x16xi32> to vector<16xi32>
      %add3A_186 = vector.broadcast %mul3A_24 : i32 to vector<16xi32>
      %add3A_187 = arith.addi %get3A_185, %add3A_186 : vector<16xi32>
      %swap3A_188 = arith.index_cast %scan3A_117 : i32 to index
      %swap3A_189 = arith.constant 96 : index
      %swap3A_190 = tpu.vector_load %arg6[%swap3A_188, %swap3A_189] {strides = array<i32>} : memref<40x128xi32, #tpu.memory_space<vmem>>, vector<1x16xi32>,
      %swap3A_191 = vector.shape_cast %swap3A_190 : vector<1x16xi32> to vector<16xi32>
      %swap3A_192 = vector.shape_cast %add3A_187 : vector<16xi32> to vector<1x16xi32>
      tpu.vector_store %arg6[%swap3A_188, %swap3A_189], %swap3A_192 {strides = array<i32>} : memref<40x128xi32, #tpu.memory_space<vmem>>, vector<1x16xi32>,
      %get3A_193 = arith.index_cast %scan3A_117 : i32 to index
      %get3A_194 = arith.constant 112 : index
      %get3A_195 = tpu.vector_load %arg6[%get3A_193, %get3A_194] {strides = array<i32>} : memref<40x128xi32, #tpu.memory_space<vmem>>, vector<1x16xi32>,
      %get3A_196 = vector.shape_cast %get3A_195 : vector<1x16xi32> to vector<16xi32>
      %add3A_197 = vector.broadcast %mul3A_24 : i32 to vector<16xi32>
      %add3A_198 = arith.addi %get3A_196, %add3A_197 : vector<16xi32>
      %swap3A_199 = arith.index_cast %scan3A_117 : i32 to index
      %swap3A_200 = arith.constant 112 : index
      %swap3A_201 = tpu.vector_load %arg6[%swap3A_199, %swap3A_200] {strides = array<i32>} : memref<40x128xi32, #tpu.memory_space<vmem>>, vector<1x16xi32>,
      %swap3A_202 = vector.shape_cast %swap3A_201 : vector<1x16xi32> to vector<16xi32>
      %swap3A_203 = vector.shape_cast %add3A_198 : vector<16xi32> to vector<1x16xi32>
      tpu.vector_store %arg6[%swap3A_199, %swap3A_200], %swap3A_203 {strides = array<i32>} : memref<40x128xi32, #tpu.memory_space<vmem>>, vector<1x16xi32>,
    }
    %scan3A_31 = arith.constant 40 : i32
    %dma_start3A = arith.constant 0 : i32
    %dma_start3A_32 = arith.constant 0 : i32
    %dma_start3A_33 = tpu.memref_slice %arg6[%dma_start3A, %dma_start3A_32] : memref<40x128xi32, #tpu.memory_space<vmem>> -> memref<1x128xi32, #tpu.memory_space<vmem>>
    %dma_start3A_34 = tpu.memref_squeeze %dma_start3A_33 : memref<1x128xi32, #tpu.memory_space<vmem>> -> memref<128xi32, #tpu.memory_space<vmem>>
    %dma_start3A_35 = arith.constant 0 : i32
    %dma_start3A_36 = arith.constant 0 : i32
    %dma_start3A_37 = tpu.memref_slice %arg2[%dma_start3A_35, %dma_start3A_36] : memref<20000x128xf32, #tpu.memory_space<hbm>> -> memref<20000x128xf32, #tpu.memory_space<hbm>>
    tpu.enqueue_indirect_dma source(%dma_start3A_37 : memref<20000x128xf32, #tpu.memory_space<hbm>>) target(%arg8 : memref<128x128xf32, #tpu.memory_space<vmem>>) offsets(%dma_start3A_34 : memref<128xi32, #tpu.memory_space<vmem>>) semaphore(%arg11 : memref<!tpu.dma_semaphore, #tpu.memory_space<semaphore_mem>>)
    %scan3A_38 = arith.constant 0 : i32
    %scan3A_39 = arith.constant 0 : i32
    %scan3A_40 = arith.constant 19 : i32
    %scan3A_41 = arith.addi %scan3A_39, %scan3A_40 : i32
    %scan3A_42 = arith.constant 1 : i32
    scf.for %scan3A_117 = %scan3A_39 to %scan3A_41 step %scan3A_42  : i32 {
      %mul3A_118 = arith.constant 2 : i32
      %mul3A_119 = arith.muli %mul3A_118, %scan3A_117 : i32
      %add3A_120 = arith.constant 1 : i32
      %add3A_121 = arith.addi %mul3A_119, %add3A_120 : i32
      %dma_start3A_122 = arith.constant 0 : i32
      %dma_start3A_123 = tpu.memref_slice %arg6[%add3A_121, %dma_start3A_122] : memref<40x128xi32, #tpu.memory_space<vmem>> -> memref<1x128xi32, #tpu.memory_space<vmem>>
      %dma_start3A_124 = tpu.memref_squeeze %dma_start3A_123 : memref<1x128xi32, #tpu.memory_space<vmem>> -> memref<128xi32, #tpu.memory_space<vmem>>
      %dma_start3A_125 = arith.constant 0 : i32
      %dma_start3A_126 = arith.constant 0 : i32
      %dma_start3A_127 = tpu.memref_slice %arg2[%dma_start3A_125, %dma_start3A_126] : memref<20000x128xf32, #tpu.memory_space<hbm>> -> memref<20000x128xf32, #tpu.memory_space<hbm>>
      tpu.enqueue_indirect_dma source(%dma_start3A_127 : memref<20000x128xf32, #tpu.memory_space<hbm>>) target(%arg9 : memref<128x128xf32, #tpu.memory_space<vmem>>) offsets(%dma_start3A_124 : memref<128xi32, #tpu.memory_space<vmem>>) semaphore(%arg12 : memref<!tpu.dma_semaphore, #tpu.memory_space<semaphore_mem>>)
      %dma_wait3A_128 = arith.constant 0 : i32
      %dma_wait3A_129 = tpu.memref_slice %arg6[%mul3A_119, %dma_wait3A_128] : memref<40x128xi32, #tpu.memory_space<vmem>> -> memref<1x128xi32, #tpu.memory_space<vmem>>
      %dma_wait3A_130 = tpu.memref_squeeze %dma_wait3A_129 : memref<1x128xi32, #tpu.memory_space<vmem>> -> memref<128xi32, #tpu.memory_space<vmem>>
      %dma_wait3A_131 = arith.constant 0 : i32
      %dma_wait3A_132 = arith.constant 0 : i32
      %dma_wait3A_133 = tpu.memref_slice %arg2[%dma_wait3A_131, %dma_wait3A_132] : memref<20000x128xf32, #tpu.memory_space<hbm>> -> memref<20000x128xf32, #tpu.memory_space<hbm>>
      tpu.wait_indirect_dma semaphore(%arg11 : memref<!tpu.dma_semaphore, #tpu.memory_space<semaphore_mem>>) src(%dma_wait3A_133 : memref<20000x128xf32, #tpu.memory_space<hbm>>) dst(%arg8 : memref<128x128xf32, #tpu.memory_space<vmem>>)
      "tpu.region"() ({
        %run_scoped3A_152 = tpu.sem_alloc : memref<!tpu.dma_semaphore, #tpu.memory_space<semaphore_mem>>
        %dma_start3A_153 = arith.constant 0 : i32
        %dma_start3A_154 = tpu.memref_slice %arg7[%mul3A_119, %dma_start3A_153] : memref<40x128xi32, #tpu.memory_space<vmem>> -> memref<1x128xi32, #tpu.memory_space<vmem>>
        %dma_start3A_155 = tpu.memref_squeeze %dma_start3A_154 : memref<1x128xi32, #tpu.memory_space<vmem>> -> memref<128xi32, #tpu.memory_space<vmem>>
        %dma_start3A_156 = arith.constant 0 : i32
        %dma_start3A_157 = arith.constant 0 : i32
        %dma_start3A_158 = tpu.memref_slice %arg10[%dma_start3A_156, %dma_start3A_157] : memref<10008x128xf32, #tpu.memory_space<vmem_shared>> -> memref<10008x128xf32, #tpu.memory_space<vmem_shared>>
        tpu.enqueue_indirect_dma source(%arg8 : memref<128x128xf32, #tpu.memory_space<vmem>>) target(%dma_start3A_158 : memref<10008x128xf32, #tpu.memory_space<vmem_shared>>) offsets(%dma_start3A_155 : memref<128xi32, #tpu.memory_space<vmem>>) semaphore(%run_scoped3A_152 : memref<!tpu.dma_semaphore, #tpu.memory_space<semaphore_mem>>) {add = true}
        %dma_wait3A_159 = arith.constant 0 : i32
        %dma_wait3A_160 = tpu.memref_slice %arg7[%mul3A_119, %dma_wait3A_159] : memref<40x128xi32, #tpu.memory_space<vmem>> -> memref<1x128xi32, #tpu.memory_space<vmem>>
        %dma_wait3A_161 = tpu.memref_squeeze %dma_wait3A_160 : memref<1x128xi32, #tpu.memory_space<vmem>> -> memref<128xi32, #tpu.memory_space<vmem>>
        %dma_wait3A_162 = arith.constant 0 : i32
        %dma_wait3A_163 = arith.constant 0 : i32
        %dma_wait3A_164 = tpu.memref_slice %arg10[%dma_wait3A_162, %dma_wait3A_163] : memref<10008x128xf32, #tpu.memory_space<vmem_shared>> -> memref<10008x128xf32, #tpu.memory_space<vmem_shared>>
        tpu.wait_indirect_dma semaphore(%run_scoped3A_152 : memref<!tpu.dma_semaphore, #tpu.memory_space<semaphore_mem>>) src(%arg8 : memref<128x128xf32, #tpu.memory_space<vmem>>) dst(%dma_wait3A_164 : memref<10008x128xf32, #tpu.memory_space<vmem_shared>>)
        tpu.yield
      }) : () -> ()
      %add3A_134 = arith.constant 2 : i32
      %add3A_135 = arith.addi %mul3A_119, %add3A_134 : i32
      %dma_start3A_136 = arith.constant 0 : i32
      %dma_start3A_137 = tpu.memref_slice %arg6[%add3A_135, %dma_start3A_136] : memref<40x128xi32, #tpu.memory_space<vmem>> -> memref<1x128xi32, #tpu.memory_space<vmem>>
      %dma_start3A_138 = tpu.memref_squeeze %dma_start3A_137 : memref<1x128xi32, #tpu.memory_space<vmem>> -> memref<128xi32, #tpu.memory_space<vmem>>
      %dma_start3A_139 = arith.constant 0 : i32
      %dma_start3A_140 = arith.constant 0 : i32
      %dma_start3A_141 = tpu.memref_slice %arg2[%dma_start3A_139, %dma_start3A_140] : memref<20000x128xf32, #tpu.memory_space<hbm>> -> memref<20000x128xf32, #tpu.memory_space<hbm>>
      tpu.enqueue_indirect_dma source(%dma_start3A_141 : memref<20000x128xf32, #tpu.memory_space<hbm>>) target(%arg8 : memref<128x128xf32, #tpu.memory_space<vmem>>) offsets(%dma_start3A_138 : memref<128xi32, #tpu.memory_space<vmem>>) semaphore(%arg11 : memref<!tpu.dma_semaphore, #tpu.memory_space<semaphore_mem>>)
      %add3A_142 = arith.constant 1 : i32
      %add3A_143 = arith.addi %mul3A_119, %add3A_142 : i32
      %dma_wait3A_144 = arith.constant 0 : i32
      %dma_wait3A_145 = tpu.memref_slice %arg6[%add3A_143, %dma_wait3A_144] : memref<40x128xi32, #tpu.memory_space<vmem>> -> memref<1x128xi32, #tpu.memory_space<vmem>>
      %dma_wait3A_146 = tpu.memref_squeeze %dma_wait3A_145 : memref<1x128xi32, #tpu.memory_space<vmem>> -> memref<128xi32, #tpu.memory_space<vmem>>
      %dma_wait3A_147 = arith.constant 0 : i32
      %dma_wait3A_148 = arith.constant 0 : i32
      %dma_wait3A_149 = tpu.memref_slice %arg2[%dma_wait3A_147, %dma_wait3A_148] : memref<20000x128xf32, #tpu.memory_space<hbm>> -> memref<20000x128xf32, #tpu.memory_space<hbm>>
      tpu.wait_indirect_dma semaphore(%arg12 : memref<!tpu.dma_semaphore, #tpu.memory_space<semaphore_mem>>) src(%dma_wait3A_149 : memref<20000x128xf32, #tpu.memory_space<hbm>>) dst(%arg9 : memref<128x128xf32, #tpu.memory_space<vmem>>)
      %add3A_150 = arith.constant 1 : i32
      %add3A_151 = arith.addi %mul3A_119, %add3A_150 : i32
      "tpu.region"() ({
        %run_scoped3A_152 = tpu.sem_alloc : memref<!tpu.dma_semaphore, #tpu.memory_space<semaphore_mem>>
        %dma_start3A_153 = arith.constant 0 : i32
        %dma_start3A_154 = tpu.memref_slice %arg7[%add3A_151, %dma_start3A_153] : memref<40x128xi32, #tpu.memory_space<vmem>> -> memref<1x128xi32, #tpu.memory_space<vmem>>
        %dma_start3A_155 = tpu.memref_squeeze %dma_start3A_154 : memref<1x128xi32, #tpu.memory_space<vmem>> -> memref<128xi32, #tpu.memory_space<vmem>>
        %dma_start3A_156 = arith.constant 0 : i32
        %dma_start3A_157 = arith.constant 0 : i32
        %dma_start3A_158 = tpu.memref_slice %arg10[%dma_start3A_156, %dma_start3A_157] : memref<10008x128xf32, #tpu.memory_space<vmem_shared>> -> memref<10008x128xf32, #tpu.memory_space<vmem_shared>>
        tpu.enqueue_indirect_dma source(%arg9 : memref<128x128xf32, #tpu.memory_space<vmem>>) target(%dma_start3A_158 : memref<10008x128xf32, #tpu.memory_space<vmem_shared>>) offsets(%dma_start3A_155 : memref<128xi32, #tpu.memory_space<vmem>>) semaphore(%run_scoped3A_152 : memref<!tpu.dma_semaphore, #tpu.memory_space<semaphore_mem>>) {add = true}
        %dma_wait3A_159 = arith.constant 0 : i32
        %dma_wait3A_160 = tpu.memref_slice %arg7[%add3A_151, %dma_wait3A_159] : memref<40x128xi32, #tpu.memory_space<vmem>> -> memref<1x128xi32, #tpu.memory_space<vmem>>
        %dma_wait3A_161 = tpu.memref_squeeze %dma_wait3A_160 : memref<1x128xi32, #tpu.memory_space<vmem>> -> memref<128xi32, #tpu.memory_space<vmem>>
        %dma_wait3A_162 = arith.constant 0 : i32
        %dma_wait3A_163 = arith.constant 0 : i32
        %dma_wait3A_164 = tpu.memref_slice %arg10[%dma_wait3A_162, %dma_wait3A_163] : memref<10008x128xf32, #tpu.memory_space<vmem_shared>> -> memref<10008x128xf32, #tpu.memory_space<vmem_shared>>
        tpu.wait_indirect_dma semaphore(%run_scoped3A_152 : memref<!tpu.dma_semaphore, #tpu.memory_space<semaphore_mem>>) src(%arg9 : memref<128x128xf32, #tpu.memory_space<vmem>>) dst(%dma_wait3A_164 : memref<10008x128xf32, #tpu.memory_space<vmem_shared>>)
        tpu.yield
      }) : () -> ()
    }
    %scan3A_43 = arith.constant 19 : i32
    %dma_start3A_44 = arith.constant 39 : i32
    %dma_start3A_45 = arith.constant 0 : i32
    %dma_start3A_46 = tpu.memref_slice %arg6[%dma_start3A_44, %dma_start3A_45] : memref<40x128xi32, #tpu.memory_space<vmem>> -> memref<1x128xi32, #tpu.memory_space<vmem>>
    %dma_start3A_47 = tpu.memref_squeeze %dma_start3A_46 : memref<1x128xi32, #tpu.memory_space<vmem>> -> memref<128xi32, #tpu.memory_space<vmem>>
    %dma_start3A_48 = arith.constant 0 : i32
    %dma_start3A_49 = arith.constant 0 : i32
    %dma_start3A_50 = tpu.memref_slice %arg2[%dma_start3A_48, %dma_start3A_49] : memref<20000x128xf32, #tpu.memory_space<hbm>> -> memref<20000x128xf32, #tpu.memory_space<hbm>>
    tpu.enqueue_indirect_dma source(%dma_start3A_50 : memref<20000x128xf32, #tpu.memory_space<hbm>>) target(%arg9 : memref<128x128xf32, #tpu.memory_space<vmem>>) offsets(%dma_start3A_47 : memref<128xi32, #tpu.memory_space<vmem>>) semaphore(%arg12 : memref<!tpu.dma_semaphore, #tpu.memory_space<semaphore_mem>>)
    %dma_wait3A = arith.constant 38 : i32
    %dma_wait3A_51 = arith.constant 0 : i32
    %dma_wait3A_52 = tpu.memref_slice %arg6[%dma_wait3A, %dma_wait3A_51] : memref<40x128xi32, #tpu.memory_space<vmem>> -> memref<1x128xi32, #tpu.memory_space<vmem>>
    %dma_wait3A_53 = tpu.memref_squeeze %dma_wait3A_52 : memref<1x128xi32, #tpu.memory_space<vmem>> -> memref<128xi32, #tpu.memory_space<vmem>>
    %dma_wait3A_54 = arith.constant 0 : i32
    %dma_wait3A_55 = arith.constant 0 : i32
    %dma_wait3A_56 = tpu.memref_slice %arg2[%dma_wait3A_54, %dma_wait3A_55] : memref<20000x128xf32, #tpu.memory_space<hbm>> -> memref<20000x128xf32, #tpu.memory_space<hbm>>
    tpu.wait_indirect_dma semaphore(%arg11 : memref<!tpu.dma_semaphore, #tpu.memory_space<semaphore_mem>>) src(%dma_wait3A_56 : memref<20000x128xf32, #tpu.memory_space<hbm>>) dst(%arg8 : memref<128x128xf32, #tpu.memory_space<vmem>>)
    %run_scoped3A_57 = arith.constant 38 : i32
    "tpu.region"() ({
      %run_scoped3A_117 = tpu.sem_alloc : memref<!tpu.dma_semaphore, #tpu.memory_space<semaphore_mem>>
      %dma_start3A_118 = arith.constant 0 : i32
      %dma_start3A_119 = tpu.memref_slice %arg7[%run_scoped3A_57, %dma_start3A_118] : memref<40x128xi32, #tpu.memory_space<vmem>> -> memref<1x128xi32, #tpu.memory_space<vmem>>
      %dma_start3A_120 = tpu.memref_squeeze %dma_start3A_119 : memref<1x128xi32, #tpu.memory_space<vmem>> -> memref<128xi32, #tpu.memory_space<vmem>>
      %dma_start3A_121 = arith.constant 0 : i32
      %dma_start3A_122 = arith.constant 0 : i32
      %dma_start3A_123 = tpu.memref_slice %arg10[%dma_start3A_121, %dma_start3A_122] : memref<10008x128xf32, #tpu.memory_space<vmem_shared>> -> memref<10008x128xf32, #tpu.memory_space<vmem_shared>>
      tpu.enqueue_indirect_dma source(%arg8 : memref<128x128xf32, #tpu.memory_space<vmem>>) target(%dma_start3A_123 : memref<10008x128xf32, #tpu.memory_space<vmem_shared>>) offsets(%dma_start3A_120 : memref<128xi32, #tpu.memory_space<vmem>>) semaphore(%run_scoped3A_117 : memref<!tpu.dma_semaphore, #tpu.memory_space<semaphore_mem>>) {add = true}
      %dma_wait3A_124 = arith.constant 0 : i32
      %dma_wait3A_125 = tpu.memref_slice %arg7[%run_scoped3A_57, %dma_wait3A_124] : memref<40x128xi32, #tpu.memory_space<vmem>> -> memref<1x128xi32, #tpu.memory_space<vmem>>
      %dma_wait3A_126 = tpu.memref_squeeze %dma_wait3A_125 : memref<1x128xi32, #tpu.memory_space<vmem>> -> memref<128xi32, #tpu.memory_space<vmem>>
      %dma_wait3A_127 = arith.constant 0 : i32
      %dma_wait3A_128 = arith.constant 0 : i32
      %dma_wait3A_129 = tpu.memref_slice %arg10[%dma_wait3A_127, %dma_wait3A_128] : memref<10008x128xf32, #tpu.memory_space<vmem_shared>> -> memref<10008x128xf32, #tpu.memory_space<vmem_shared>>
      tpu.wait_indirect_dma semaphore(%run_scoped3A_117 : memref<!tpu.dma_semaphore, #tpu.memory_space<semaphore_mem>>) src(%arg8 : memref<128x128xf32, #tpu.memory_space<vmem>>) dst(%dma_wait3A_129 : memref<10008x128xf32, #tpu.memory_space<vmem_shared>>)
      tpu.yield
    }) : () -> ()
    %dma_wait3A_58 = arith.constant 39 : i32
    %dma_wait3A_59 = arith.constant 0 : i32
    %dma_wait3A_60 = tpu.memref_slice %arg6[%dma_wait3A_58, %dma_wait3A_59] : memref<40x128xi32, #tpu.memory_space<vmem>> -> memref<1x128xi32, #tpu.memory_space<vmem>>
    %dma_wait3A_61 = tpu.memref_squeeze %dma_wait3A_60 : memref<1x128xi32, #tpu.memory_space<vmem>> -> memref<128xi32, #tpu.memory_space<vmem>>
    %dma_wait3A_62 = arith.constant 0 : i32
    %dma_wait3A_63 = arith.constant 0 : i32
    %dma_wait3A_64 = tpu.memref_slice %arg2[%dma_wait3A_62, %dma_wait3A_63] : memref<20000x128xf32, #tpu.memory_space<hbm>> -> memref<20000x128xf32, #tpu.memory_space<hbm>>
    tpu.wait_indirect_dma semaphore(%arg12 : memref<!tpu.dma_semaphore, #tpu.memory_space<semaphore_mem>>) src(%dma_wait3A_64 : memref<20000x128xf32, #tpu.memory_space<hbm>>) dst(%arg9 : memref<128x128xf32, #tpu.memory_space<vmem>>)
    %run_scoped3A_65 = arith.constant 39 : i32
    "tpu.region"() ({
      %run_scoped3A_117 = tpu.sem_alloc : memref<!tpu.dma_semaphore, #tpu.memory_space<semaphore_mem>>
      %dma_start3A_118 = arith.constant 0 : i32
      %dma_start3A_119 = tpu.memref_slice %arg7[%run_scoped3A_65, %dma_start3A_118] : memref<40x128xi32, #tpu.memory_space<vmem>> -> memref<1x128xi32, #tpu.memory_space<vmem>>
      %dma_start3A_120 = tpu.memref_squeeze %dma_start3A_119 : memref<1x128xi32, #tpu.memory_space<vmem>> -> memref<128xi32, #tpu.memory_space<vmem>>
      %dma_start3A_121 = arith.constant 0 : i32
      %dma_start3A_122 = arith.constant 0 : i32
      %dma_start3A_123 = tpu.memref_slice %arg10[%dma_start3A_121, %dma_start3A_122] : memref<10008x128xf32, #tpu.memory_space<vmem_shared>> -> memref<10008x128xf32, #tpu.memory_space<vmem_shared>>
      tpu.enqueue_indirect_dma source(%arg9 : memref<128x128xf32, #tpu.memory_space<vmem>>) target(%dma_start3A_123 : memref<10008x128xf32, #tpu.memory_space<vmem_shared>>) offsets(%dma_start3A_120 : memref<128xi32, #tpu.memory_space<vmem>>) semaphore(%run_scoped3A_117 : memref<!tpu.dma_semaphore, #tpu.memory_space<semaphore_mem>>) {add = true}
      %dma_wait3A_124 = arith.constant 0 : i32
      %dma_wait3A_125 = tpu.memref_slice %arg7[%run_scoped3A_65, %dma_wait3A_124] : memref<40x128xi32, #tpu.memory_space<vmem>> -> memref<1x128xi32, #tpu.memory_space<vmem>>
      %dma_wait3A_126 = tpu.memref_squeeze %dma_wait3A_125 : memref<1x128xi32, #tpu.memory_space<vmem>> -> memref<128xi32, #tpu.memory_space<vmem>>
      %dma_wait3A_127 = arith.constant 0 : i32
      %dma_wait3A_128 = arith.constant 0 : i32
      %dma_wait3A_129 = tpu.memref_slice %arg10[%dma_wait3A_127, %dma_wait3A_128] : memref<10008x128xf32, #tpu.memory_space<vmem_shared>> -> memref<10008x128xf32, #tpu.memory_space<vmem_shared>>
      tpu.wait_indirect_dma semaphore(%run_scoped3A_117 : memref<!tpu.dma_semaphore, #tpu.memory_space<semaphore_mem>>) src(%arg9 : memref<128x128xf32, #tpu.memory_space<vmem>>) dst(%dma_wait3A_129 : memref<10008x128xf32, #tpu.memory_space<vmem_shared>>)
      tpu.yield
    }) : () -> ()
    %run_scoped3A_66 = arith.constant 1 : i32
    "tpu.region"() ({
      %run_scoped3A_117 = tpu.sem_alloc : memref<!tpu.dma_semaphore, #tpu.memory_space<semaphore_mem>>
      %dma_start3A_118 = arith.constant 0 : i32
      %dma_start3A_119 = arith.constant 0 : i32
      %dma_start3A_120 = tpu.memref_slice %arg3[%arg1, %run_scoped3A_66, %dma_start3A_118, %dma_start3A_119] : memref<16x2x40x128xi32, #tpu.memory_space<hbm>> -> memref<1x1x40x128xi32, #tpu.memory_space<hbm>>
      %dma_start3A_121 = tpu.memref_squeeze %dma_start3A_120 : memref<1x1x40x128xi32, #tpu.memory_space<hbm>> -> memref<40x128xi32, #tpu.memory_space<hbm>>
      %dma_start3A_122 = arith.constant 0 : i32
      %dma_start3A_123 = arith.constant 0 : i32
      %dma_start3A_124 = tpu.memref_slice %arg3[%arg1, %run_scoped3A_66, %dma_start3A_122, %dma_start3A_123] : memref<16x2x40x128xi32, #tpu.memory_space<hbm>> -> memref<1x1x40x128xi32, #tpu.memory_space<hbm>>
      %dma_start3A_125 = tpu.memref_squeeze %dma_start3A_124 : memref<1x1x40x128xi32, #tpu.memory_space<hbm>> -> memref<40x128xi32, #tpu.memory_space<hbm>>
      tpu.enqueue_dma source(%dma_start3A_125 : memref<40x128xi32, #tpu.memory_space<hbm>>) target(%arg6 : memref<40x128xi32, #tpu.memory_space<vmem>>) target_semaphore(%run_scoped3A_117 : memref<!tpu.dma_semaphore, #tpu.memory_space<semaphore_mem>>)
      %dma_wait3A_126 = arith.constant 0 : i32
      %dma_wait3A_127 = arith.constant 0 : i32
      %dma_wait3A_128 = tpu.memref_slice %arg3[%arg1, %run_scoped3A_66, %dma_wait3A_126, %dma_wait3A_127] : memref<16x2x40x128xi32, #tpu.memory_space<hbm>> -> memref<1x1x40x128xi32, #tpu.memory_space<hbm>>
      %dma_wait3A_129 = tpu.memref_squeeze %dma_wait3A_128 : memref<1x1x40x128xi32, #tpu.memory_space<hbm>> -> memref<40x128xi32, #tpu.memory_space<hbm>>
      %dma_wait3A_130 = arith.constant 0 : i32
      %dma_wait3A_131 = arith.constant 0 : i32
      %dma_wait3A_132 = tpu.memref_slice %arg3[%arg1, %run_scoped3A_66, %dma_wait3A_130, %dma_wait3A_131] : memref<16x2x40x128xi32, #tpu.memory_space<hbm>> -> memref<1x1x40x128xi32, #tpu.memory_space<hbm>>
      %dma_wait3A_133 = tpu.memref_squeeze %dma_wait3A_132 : memref<1x1x40x128xi32, #tpu.memory_space<hbm>> -> memref<40x128xi32, #tpu.memory_space<hbm>>
      tpu.wait_dma2 semaphore(%run_scoped3A_117 : memref<!tpu.dma_semaphore, #tpu.memory_space<semaphore_mem>>) src(%dma_wait3A_133 : memref<40x128xi32, #tpu.memory_space<hbm>>) dst(%arg6 : memref<40x128xi32, #tpu.memory_space<vmem>>)
      tpu.yield
    }) : () -> ()
    %run_scoped3A_67 = arith.constant 1 : i32
    "tpu.region"() ({
      %run_scoped3A_117 = tpu.sem_alloc : memref<!tpu.dma_semaphore, #tpu.memory_space<semaphore_mem>>
      %dma_start3A_118 = arith.constant 0 : i32
      %dma_start3A_119 = arith.constant 0 : i32
      %dma_start3A_120 = tpu.memref_slice %arg4[%arg1, %run_scoped3A_67, %dma_start3A_118, %dma_start3A_119] : memref<16x2x40x128xi32, #tpu.memory_space<hbm>> -> memref<1x1x40x128xi32, #tpu.memory_space<hbm>>
      %dma_start3A_121 = tpu.memref_squeeze %dma_start3A_120 : memref<1x1x40x128xi32, #tpu.memory_space<hbm>> -> memref<40x128xi32, #tpu.memory_space<hbm>>
      %dma_start3A_122 = arith.constant 0 : i32
      %dma_start3A_123 = arith.constant 0 : i32
      %dma_start3A_124 = tpu.memref_slice %arg4[%arg1, %run_scoped3A_67, %dma_start3A_122, %dma_start3A_123] : memref<16x2x40x128xi32, #tpu.memory_space<hbm>> -> memref<1x1x40x128xi32, #tpu.memory_space<hbm>>
      %dma_start3A_125 = tpu.memref_squeeze %dma_start3A_124 : memref<1x1x40x128xi32, #tpu.memory_space<hbm>> -> memref<40x128xi32, #tpu.memory_space<hbm>>
      tpu.enqueue_dma source(%dma_start3A_125 : memref<40x128xi32, #tpu.memory_space<hbm>>) target(%arg7 : memref<40x128xi32, #tpu.memory_space<vmem>>) target_semaphore(%run_scoped3A_117 : memref<!tpu.dma_semaphore, #tpu.memory_space<semaphore_mem>>)
      %dma_wait3A_126 = arith.constant 0 : i32
      %dma_wait3A_127 = arith.constant 0 : i32
      %dma_wait3A_128 = tpu.memref_slice %arg4[%arg1, %run_scoped3A_67, %dma_wait3A_126, %dma_wait3A_127] : memref<16x2x40x128xi32, #tpu.memory_space<hbm>> -> memref<1x1x40x128xi32, #tpu.memory_space<hbm>>
      %dma_wait3A_129 = tpu.memref_squeeze %dma_wait3A_128 : memref<1x1x40x128xi32, #tpu.memory_space<hbm>> -> memref<40x128xi32, #tpu.memory_space<hbm>>
      %dma_wait3A_130 = arith.constant 0 : i32
      %dma_wait3A_131 = arith.constant 0 : i32
      %dma_wait3A_132 = tpu.memref_slice %arg4[%arg1, %run_scoped3A_67, %dma_wait3A_130, %dma_wait3A_131] : memref<16x2x40x128xi32, #tpu.memory_space<hbm>> -> memref<1x1x40x128xi32, #tpu.memory_space<hbm>>
      %dma_wait3A_133 = tpu.memref_squeeze %dma_wait3A_132 : memref<1x1x40x128xi32, #tpu.memory_space<hbm>> -> memref<40x128xi32, #tpu.memory_space<hbm>>
      tpu.wait_dma2 semaphore(%run_scoped3A_117 : memref<!tpu.dma_semaphore, #tpu.memory_space<semaphore_mem>>) src(%dma_wait3A_133 : memref<40x128xi32, #tpu.memory_space<hbm>>) dst(%arg7 : memref<40x128xi32, #tpu.memory_space<vmem>>)
      tpu.yield
    }) : () -> ()
    %scan3A_68 = arith.constant 0 : i32
    %scan3A_69 = arith.constant 0 : i32
    %scan3A_70 = arith.constant 40 : i32
    %scan3A_71 = arith.addi %scan3A_69, %scan3A_70 : i32
    %scan3A_72 = arith.constant 1 : i32
    scf.for %scan3A_117 = %scan3A_69 to %scan3A_71 step %scan3A_72  : i32 {
      %get3A = arith.index_cast %scan3A_117 : i32 to index
      %get3A_118 = arith.constant 0 : index
      %get3A_119 = tpu.vector_load %arg6[%get3A, %get3A_118] {strides = array<i32>} : memref<40x128xi32, #tpu.memory_space<vmem>>, vector<1x16xi32>,
      %get3A_120 = vector.shape_cast %get3A_119 : vector<1x16xi32> to vector<16xi32>
      %add3A_121 = vector.broadcast %mul3A_24 : i32 to vector<16xi32>
      %add3A_122 = arith.addi %get3A_120, %add3A_121 : vector<16xi32>
      %swap3A = arith.index_cast %scan3A_117 : i32 to index
      %swap3A_123 = arith.constant 0 : index
      %swap3A_124 = tpu.vector_load %arg6[%swap3A, %swap3A_123] {strides = array<i32>} : memref<40x128xi32, #tpu.memory_space<vmem>>, vector<1x16xi32>,
      %swap3A_125 = vector.shape_cast %swap3A_124 : vector<1x16xi32> to vector<16xi32>
      %swap3A_126 = vector.shape_cast %add3A_122 : vector<16xi32> to vector<1x16xi32>
      tpu.vector_store %arg6[%swap3A, %swap3A_123], %swap3A_126 {strides = array<i32>} : memref<40x128xi32, #tpu.memory_space<vmem>>, vector<1x16xi32>,
      %get3A_127 = arith.index_cast %scan3A_117 : i32 to index
      %get3A_128 = arith.constant 16 : index
      %get3A_129 = tpu.vector_load %arg6[%get3A_127, %get3A_128] {strides = array<i32>} : memref<40x128xi32, #tpu.memory_space<vmem>>, vector<1x16xi32>,
      %get3A_130 = vector.shape_cast %get3A_129 : vector<1x16xi32> to vector<16xi32>
      %add3A_131 = vector.broadcast %mul3A_24 : i32 to vector<16xi32>
      %add3A_132 = arith.addi %get3A_130, %add3A_131 : vector<16xi32>
      %swap3A_133 = arith.index_cast %scan3A_117 : i32 to index
      %swap3A_134 = arith.constant 16 : index
      %swap3A_135 = tpu.vector_load %arg6[%swap3A_133, %swap3A_134] {strides = array<i32>} : memref<40x128xi32, #tpu.memory_space<vmem>>, vector<1x16xi32>,
      %swap3A_136 = vector.shape_cast %swap3A_135 : vector<1x16xi32> to vector<16xi32>
      %swap3A_137 = vector.shape_cast %add3A_132 : vector<16xi32> to vector<1x16xi32>
      tpu.vector_store %arg6[%swap3A_133, %swap3A_134], %swap3A_137 {strides = array<i32>} : memref<40x128xi32, #tpu.memory_space<vmem>>, vector<1x16xi32>,
      %get3A_138 = arith.index_cast %scan3A_117 : i32 to index
      %get3A_139 = arith.constant 32 : index
      %get3A_140 = tpu.vector_load %arg6[%get3A_138, %get3A_139] {strides = array<i32>} : memref<40x128xi32, #tpu.memory_space<vmem>>, vector<1x16xi32>,
      %get3A_141 = vector.shape_cast %get3A_140 : vector<1x16xi32> to vector<16xi32>
      %add3A_142 = vector.broadcast %mul3A_24 : i32 to vector<16xi32>
      %add3A_143 = arith.addi %get3A_141, %add3A_142 : vector<16xi32>
      %swap3A_144 = arith.index_cast %scan3A_117 : i32 to index
      %swap3A_145 = arith.constant 32 : index
      %swap3A_146 = tpu.vector_load %arg6[%swap3A_144, %swap3A_145] {strides = array<i32>} : memref<40x128xi32, #tpu.memory_space<vmem>>, vector<1x16xi32>,
      %swap3A_147 = vector.shape_cast %swap3A_146 : vector<1x16xi32> to vector<16xi32>
      %swap3A_148 = vector.shape_cast %add3A_143 : vector<16xi32> to vector<1x16xi32>
      tpu.vector_store %arg6[%swap3A_144, %swap3A_145], %swap3A_148 {strides = array<i32>} : memref<40x128xi32, #tpu.memory_space<vmem>>, vector<1x16xi32>,
      %get3A_149 = arith.index_cast %scan3A_117 : i32 to index
      %get3A_150 = arith.constant 48 : index
      %get3A_151 = tpu.vector_load %arg6[%get3A_149, %get3A_150] {strides = array<i32>} : memref<40x128xi32, #tpu.memory_space<vmem>>, vector<1x16xi32>,
      %get3A_152 = vector.shape_cast %get3A_151 : vector<1x16xi32> to vector<16xi32>
      %add3A_153 = vector.broadcast %mul3A_24 : i32 to vector<16xi32>
      %add3A_154 = arith.addi %get3A_152, %add3A_153 : vector<16xi32>
      %swap3A_155 = arith.index_cast %scan3A_117 : i32 to index
      %swap3A_156 = arith.constant 48 : index
      %swap3A_157 = tpu.vector_load %arg6[%swap3A_155, %swap3A_156] {strides = array<i32>} : memref<40x128xi32, #tpu.memory_space<vmem>>, vector<1x16xi32>,
      %swap3A_158 = vector.shape_cast %swap3A_157 : vector<1x16xi32> to vector<16xi32>
      %swap3A_159 = vector.shape_cast %add3A_154 : vector<16xi32> to vector<1x16xi32>
      tpu.vector_store %arg6[%swap3A_155, %swap3A_156], %swap3A_159 {strides = array<i32>} : memref<40x128xi32, #tpu.memory_space<vmem>>, vector<1x16xi32>,
      %get3A_160 = arith.index_cast %scan3A_117 : i32 to index
      %get3A_161 = arith.constant 64 : index
      %get3A_162 = tpu.vector_load %arg6[%get3A_160, %get3A_161] {strides = array<i32>} : memref<40x128xi32, #tpu.memory_space<vmem>>, vector<1x16xi32>,
      %get3A_163 = vector.shape_cast %get3A_162 : vector<1x16xi32> to vector<16xi32>
      %add3A_164 = vector.broadcast %mul3A_24 : i32 to vector<16xi32>
      %add3A_165 = arith.addi %get3A_163, %add3A_164 : vector<16xi32>
      %swap3A_166 = arith.index_cast %scan3A_117 : i32 to index
      %swap3A_167 = arith.constant 64 : index
      %swap3A_168 = tpu.vector_load %arg6[%swap3A_166, %swap3A_167] {strides = array<i32>} : memref<40x128xi32, #tpu.memory_space<vmem>>, vector<1x16xi32>,
      %swap3A_169 = vector.shape_cast %swap3A_168 : vector<1x16xi32> to vector<16xi32>
      %swap3A_170 = vector.shape_cast %add3A_165 : vector<16xi32> to vector<1x16xi32>
      tpu.vector_store %arg6[%swap3A_166, %swap3A_167], %swap3A_170 {strides = array<i32>} : memref<40x128xi32, #tpu.memory_space<vmem>>, vector<1x16xi32>,
      %get3A_171 = arith.index_cast %scan3A_117 : i32 to index
      %get3A_172 = arith.constant 80 : index
      %get3A_173 = tpu.vector_load %arg6[%get3A_171, %get3A_172] {strides = array<i32>} : memref<40x128xi32, #tpu.memory_space<vmem>>, vector<1x16xi32>,
      %get3A_174 = vector.shape_cast %get3A_173 : vector<1x16xi32> to vector<16xi32>
      %add3A_175 = vector.broadcast %mul3A_24 : i32 to vector<16xi32>
      %add3A_176 = arith.addi %get3A_174, %add3A_175 : vector<16xi32>
      %swap3A_177 = arith.index_cast %scan3A_117 : i32 to index
      %swap3A_178 = arith.constant 80 : index
      %swap3A_179 = tpu.vector_load %arg6[%swap3A_177, %swap3A_178] {strides = array<i32>} : memref<40x128xi32, #tpu.memory_space<vmem>>, vector<1x16xi32>,
      %swap3A_180 = vector.shape_cast %swap3A_179 : vector<1x16xi32> to vector<16xi32>
      %swap3A_181 = vector.shape_cast %add3A_176 : vector<16xi32> to vector<1x16xi32>
      tpu.vector_store %arg6[%swap3A_177, %swap3A_178], %swap3A_181 {strides = array<i32>} : memref<40x128xi32, #tpu.memory_space<vmem>>, vector<1x16xi32>,
      %get3A_182 = arith.index_cast %scan3A_117 : i32 to index
      %get3A_183 = arith.constant 96 : index
      %get3A_184 = tpu.vector_load %arg6[%get3A_182, %get3A_183] {strides = array<i32>} : memref<40x128xi32, #tpu.memory_space<vmem>>, vector<1x16xi32>,
      %get3A_185 = vector.shape_cast %get3A_184 : vector<1x16xi32> to vector<16xi32>
      %add3A_186 = vector.broadcast %mul3A_24 : i32 to vector<16xi32>
      %add3A_187 = arith.addi %get3A_185, %add3A_186 : vector<16xi32>
      %swap3A_188 = arith.index_cast %scan3A_117 : i32 to index
      %swap3A_189 = arith.constant 96 : index
      %swap3A_190 = tpu.vector_load %arg6[%swap3A_188, %swap3A_189] {strides = array<i32>} : memref<40x128xi32, #tpu.memory_space<vmem>>, vector<1x16xi32>,
      %swap3A_191 = vector.shape_cast %swap3A_190 : vector<1x16xi32> to vector<16xi32>
      %swap3A_192 = vector.shape_cast %add3A_187 : vector<16xi32> to vector<1x16xi32>
      tpu.vector_store %arg6[%swap3A_188, %swap3A_189], %swap3A_192 {strides = array<i32>} : memref<40x128xi32, #tpu.memory_space<vmem>>, vector<1x16xi32>,
      %get3A_193 = arith.index_cast %scan3A_117 : i32 to index
      %get3A_194 = arith.constant 112 : index
      %get3A_195 = tpu.vector_load %arg6[%get3A_193, %get3A_194] {strides = array<i32>} : memref<40x128xi32, #tpu.memory_space<vmem>>, vector<1x16xi32>,
      %get3A_196 = vector.shape_cast %get3A_195 : vector<1x16xi32> to vector<16xi32>
      %add3A_197 = vector.broadcast %mul3A_24 : i32 to vector<16xi32>
      %add3A_198 = arith.addi %get3A_196, %add3A_197 : vector<16xi32>
      %swap3A_199 = arith.index_cast %scan3A_117 : i32 to index
      %swap3A_200 = arith.constant 112 : index
      %swap3A_201 = tpu.vector_load %arg6[%swap3A_199, %swap3A_200] {strides = array<i32>} : memref<40x128xi32, #tpu.memory_space<vmem>>, vector<1x16xi32>,
      %swap3A_202 = vector.shape_cast %swap3A_201 : vector<1x16xi32> to vector<16xi32>
      %swap3A_203 = vector.shape_cast %add3A_198 : vector<16xi32> to vector<1x16xi32>
      tpu.vector_store %arg6[%swap3A_199, %swap3A_200], %swap3A_203 {strides = array<i32>} : memref<40x128xi32, #tpu.memory_space<vmem>>, vector<1x16xi32>,
    }
    %scan3A_73 = arith.constant 40 : i32
    %dma_start3A_74 = arith.constant 0 : i32
    %dma_start3A_75 = arith.constant 0 : i32
    %dma_start3A_76 = tpu.memref_slice %arg6[%dma_start3A_74, %dma_start3A_75] : memref<40x128xi32, #tpu.memory_space<vmem>> -> memref<1x128xi32, #tpu.memory_space<vmem>>
    %dma_start3A_77 = tpu.memref_squeeze %dma_start3A_76 : memref<1x128xi32, #tpu.memory_space<vmem>> -> memref<128xi32, #tpu.memory_space<vmem>>
    %dma_start3A_78 = arith.constant 0 : i32
    %dma_start3A_79 = arith.constant 0 : i32
    %dma_start3A_80 = tpu.memref_slice %arg2[%dma_start3A_78, %dma_start3A_79] : memref<20000x128xf32, #tpu.memory_space<hbm>> -> memref<20000x128xf32, #tpu.memory_space<hbm>>
    tpu.enqueue_indirect_dma source(%dma_start3A_80 : memref<20000x128xf32, #tpu.memory_space<hbm>>) target(%arg8 : memref<128x128xf32, #tpu.memory_space<vmem>>) offsets(%dma_start3A_77 : memref<128xi32, #tpu.memory_space<vmem>>) semaphore(%arg11 : memref<!tpu.dma_semaphore, #tpu.memory_space<semaphore_mem>>)
    %scan3A_81 = arith.constant 0 : i32
    %scan3A_82 = arith.constant 0 : i32
    %scan3A_83 = arith.constant 19 : i32
    %scan3A_84 = arith.addi %scan3A_82, %scan3A_83 : i32
    %scan3A_85 = arith.constant 1 : i32
    scf.for %scan3A_117 = %scan3A_82 to %scan3A_84 step %scan3A_85  : i32 {
      %mul3A_118 = arith.constant 2 : i32
      %mul3A_119 = arith.muli %mul3A_118, %scan3A_117 : i32
      %add3A_120 = arith.constant 1 : i32
      %add3A_121 = arith.addi %mul3A_119, %add3A_120 : i32
      %dma_start3A_122 = arith.constant 0 : i32
      %dma_start3A_123 = tpu.memref_slice %arg6[%add3A_121, %dma_start3A_122] : memref<40x128xi32, #tpu.memory_space<vmem>> -> memref<1x128xi32, #tpu.memory_space<vmem>>
      %dma_start3A_124 = tpu.memref_squeeze %dma_start3A_123 : memref<1x128xi32, #tpu.memory_space<vmem>> -> memref<128xi32, #tpu.memory_space<vmem>>
      %dma_start3A_125 = arith.constant 0 : i32
      %dma_start3A_126 = arith.constant 0 : i32
      %dma_start3A_127 = tpu.memref_slice %arg2[%dma_start3A_125, %dma_start3A_126] : memref<20000x128xf32, #tpu.memory_space<hbm>> -> memref<20000x128xf32, #tpu.memory_space<hbm>>
      tpu.enqueue_indirect_dma source(%dma_start3A_127 : memref<20000x128xf32, #tpu.memory_space<hbm>>) target(%arg9 : memref<128x128xf32, #tpu.memory_space<vmem>>) offsets(%dma_start3A_124 : memref<128xi32, #tpu.memory_space<vmem>>) semaphore(%arg12 : memref<!tpu.dma_semaphore, #tpu.memory_space<semaphore_mem>>)
      %dma_wait3A_128 = arith.constant 0 : i32
      %dma_wait3A_129 = tpu.memref_slice %arg6[%mul3A_119, %dma_wait3A_128] : memref<40x128xi32, #tpu.memory_space<vmem>> -> memref<1x128xi32, #tpu.memory_space<vmem>>
      %dma_wait3A_130 = tpu.memref_squeeze %dma_wait3A_129 : memref<1x128xi32, #tpu.memory_space<vmem>> -> memref<128xi32, #tpu.memory_space<vmem>>
      %dma_wait3A_131 = arith.constant 0 : i32
      %dma_wait3A_132 = arith.constant 0 : i32
      %dma_wait3A_133 = tpu.memref_slice %arg2[%dma_wait3A_131, %dma_wait3A_132] : memref<20000x128xf32, #tpu.memory_space<hbm>> -> memref<20000x128xf32, #tpu.memory_space<hbm>>
      tpu.wait_indirect_dma semaphore(%arg11 : memref<!tpu.dma_semaphore, #tpu.memory_space<semaphore_mem>>) src(%dma_wait3A_133 : memref<20000x128xf32, #tpu.memory_space<hbm>>) dst(%arg8 : memref<128x128xf32, #tpu.memory_space<vmem>>)
      "tpu.region"() ({
        %run_scoped3A_152 = tpu.sem_alloc : memref<!tpu.dma_semaphore, #tpu.memory_space<semaphore_mem>>
        %dma_start3A_153 = arith.constant 0 : i32
        %dma_start3A_154 = tpu.memref_slice %arg7[%mul3A_119, %dma_start3A_153] : memref<40x128xi32, #tpu.memory_space<vmem>> -> memref<1x128xi32, #tpu.memory_space<vmem>>
        %dma_start3A_155 = tpu.memref_squeeze %dma_start3A_154 : memref<1x128xi32, #tpu.memory_space<vmem>> -> memref<128xi32, #tpu.memory_space<vmem>>
        %dma_start3A_156 = arith.constant 0 : i32
        %dma_start3A_157 = arith.constant 0 : i32
        %dma_start3A_158 = tpu.memref_slice %arg10[%dma_start3A_156, %dma_start3A_157] : memref<10008x128xf32, #tpu.memory_space<vmem_shared>> -> memref<10008x128xf32, #tpu.memory_space<vmem_shared>>
        tpu.enqueue_indirect_dma source(%arg8 : memref<128x128xf32, #tpu.memory_space<vmem>>) target(%dma_start3A_158 : memref<10008x128xf32, #tpu.memory_space<vmem_shared>>) offsets(%dma_start3A_155 : memref<128xi32, #tpu.memory_space<vmem>>) semaphore(%run_scoped3A_152 : memref<!tpu.dma_semaphore, #tpu.memory_space<semaphore_mem>>) {add = true}
        %dma_wait3A_159 = arith.constant 0 : i32
        %dma_wait3A_160 = tpu.memref_slice %arg7[%mul3A_119, %dma_wait3A_159] : memref<40x128xi32, #tpu.memory_space<vmem>> -> memref<1x128xi32, #tpu.memory_space<vmem>>
        %dma_wait3A_161 = tpu.memref_squeeze %dma_wait3A_160 : memref<1x128xi32, #tpu.memory_space<vmem>> -> memref<128xi32, #tpu.memory_space<vmem>>
        %dma_wait3A_162 = arith.constant 0 : i32
        %dma_wait3A_163 = arith.constant 0 : i32
        %dma_wait3A_164 = tpu.memref_slice %arg10[%dma_wait3A_162, %dma_wait3A_163] : memref<10008x128xf32, #tpu.memory_space<vmem_shared>> -> memref<10008x128xf32, #tpu.memory_space<vmem_shared>>
        tpu.wait_indirect_dma semaphore(%run_scoped3A_152 : memref<!tpu.dma_semaphore, #tpu.memory_space<semaphore_mem>>) src(%arg8 : memref<128x128xf32, #tpu.memory_space<vmem>>) dst(%dma_wait3A_164 : memref<10008x128xf32, #tpu.memory_space<vmem_shared>>)
        tpu.yield
      }) : () -> ()
      %add3A_134 = arith.constant 2 : i32
      %add3A_135 = arith.addi %mul3A_119, %add3A_134 : i32
      %dma_start3A_136 = arith.constant 0 : i32
      %dma_start3A_137 = tpu.memref_slice %arg6[%add3A_135, %dma_start3A_136] : memref<40x128xi32, #tpu.memory_space<vmem>> -> memref<1x128xi32, #tpu.memory_space<vmem>>
      %dma_start3A_138 = tpu.memref_squeeze %dma_start3A_137 : memref<1x128xi32, #tpu.memory_space<vmem>> -> memref<128xi32, #tpu.memory_space<vmem>>
      %dma_start3A_139 = arith.constant 0 : i32
      %dma_start3A_140 = arith.constant 0 : i32
      %dma_start3A_141 = tpu.memref_slice %arg2[%dma_start3A_139, %dma_start3A_140] : memref<20000x128xf32, #tpu.memory_space<hbm>> -> memref<20000x128xf32, #tpu.memory_space<hbm>>
      tpu.enqueue_indirect_dma source(%dma_start3A_141 : memref<20000x128xf32, #tpu.memory_space<hbm>>) target(%arg8 : memref<128x128xf32, #tpu.memory_space<vmem>>) offsets(%dma_start3A_138 : memref<128xi32, #tpu.memory_space<vmem>>) semaphore(%arg11 : memref<!tpu.dma_semaphore, #tpu.memory_space<semaphore_mem>>)
      %add3A_142 = arith.constant 1 : i32
      %add3A_143 = arith.addi %mul3A_119, %add3A_142 : i32
      %dma_wait3A_144 = arith.constant 0 : i32
      %dma_wait3A_145 = tpu.memref_slice %arg6[%add3A_143, %dma_wait3A_144] : memref<40x128xi32, #tpu.memory_space<vmem>> -> memref<1x128xi32, #tpu.memory_space<vmem>>
      %dma_wait3A_146 = tpu.memref_squeeze %dma_wait3A_145 : memref<1x128xi32, #tpu.memory_space<vmem>> -> memref<128xi32, #tpu.memory_space<vmem>>
      %dma_wait3A_147 = arith.constant 0 : i32
      %dma_wait3A_148 = arith.constant 0 : i32
      %dma_wait3A_149 = tpu.memref_slice %arg2[%dma_wait3A_147, %dma_wait3A_148] : memref<20000x128xf32, #tpu.memory_space<hbm>> -> memref<20000x128xf32, #tpu.memory_space<hbm>>
      tpu.wait_indirect_dma semaphore(%arg12 : memref<!tpu.dma_semaphore, #tpu.memory_space<semaphore_mem>>) src(%dma_wait3A_149 : memref<20000x128xf32, #tpu.memory_space<hbm>>) dst(%arg9 : memref<128x128xf32, #tpu.memory_space<vmem>>)
      %add3A_150 = arith.constant 1 : i32
      %add3A_151 = arith.addi %mul3A_119, %add3A_150 : i32
      "tpu.region"() ({
        %run_scoped3A_152 = tpu.sem_alloc : memref<!tpu.dma_semaphore, #tpu.memory_space<semaphore_mem>>
        %dma_start3A_153 = arith.constant 0 : i32
        %dma_start3A_154 = tpu.memref_slice %arg7[%add3A_151, %dma_start3A_153] : memref<40x128xi32, #tpu.memory_space<vmem>> -> memref<1x128xi32, #tpu.memory_space<vmem>>
        %dma_start3A_155 = tpu.memref_squeeze %dma_start3A_154 : memref<1x128xi32, #tpu.memory_space<vmem>> -> memref<128xi32, #tpu.memory_space<vmem>>
        %dma_start3A_156 = arith.constant 0 : i32
        %dma_start3A_157 = arith.constant 0 : i32
        %dma_start3A_158 = tpu.memref_slice %arg10[%dma_start3A_156, %dma_start3A_157] : memref<10008x128xf32, #tpu.memory_space<vmem_shared>> -> memref<10008x128xf32, #tpu.memory_space<vmem_shared>>
        tpu.enqueue_indirect_dma source(%arg9 : memref<128x128xf32, #tpu.memory_space<vmem>>) target(%dma_start3A_158 : memref<10008x128xf32, #tpu.memory_space<vmem_shared>>) offsets(%dma_start3A_155 : memref<128xi32, #tpu.memory_space<vmem>>) semaphore(%run_scoped3A_152 : memref<!tpu.dma_semaphore, #tpu.memory_space<semaphore_mem>>) {add = true}
        %dma_wait3A_159 = arith.constant 0 : i32
        %dma_wait3A_160 = tpu.memref_slice %arg7[%add3A_151, %dma_wait3A_159] : memref<40x128xi32, #tpu.memory_space<vmem>> -> memref<1x128xi32, #tpu.memory_space<vmem>>
        %dma_wait3A_161 = tpu.memref_squeeze %dma_wait3A_160 : memref<1x128xi32, #tpu.memory_space<vmem>> -> memref<128xi32, #tpu.memory_space<vmem>>
        %dma_wait3A_162 = arith.constant 0 : i32
        %dma_wait3A_163 = arith.constant 0 : i32
        %dma_wait3A_164 = tpu.memref_slice %arg10[%dma_wait3A_162, %dma_wait3A_163] : memref<10008x128xf32, #tpu.memory_space<vmem_shared>> -> memref<10008x128xf32, #tpu.memory_space<vmem_shared>>
        tpu.wait_indirect_dma semaphore(%run_scoped3A_152 : memref<!tpu.dma_semaphore, #tpu.memory_space<semaphore_mem>>) src(%arg9 : memref<128x128xf32, #tpu.memory_space<vmem>>) dst(%dma_wait3A_164 : memref<10008x128xf32, #tpu.memory_space<vmem_shared>>)
        tpu.yield
      }) : () -> ()
    }
    %scan3A_86 = arith.constant 19 : i32
    %dma_start3A_87 = arith.constant 39 : i32
    %dma_start3A_88 = arith.constant 0 : i32
    %dma_start3A_89 = tpu.memref_slice %arg6[%dma_start3A_87, %dma_start3A_88] : memref<40x128xi32, #tpu.memory_space<vmem>> -> memref<1x128xi32, #tpu.memory_space<vmem>>
    %dma_start3A_90 = tpu.memref_squeeze %dma_start3A_89 : memref<1x128xi32, #tpu.memory_space<vmem>> -> memref<128xi32, #tpu.memory_space<vmem>>
    %dma_start3A_91 = arith.constant 0 : i32
    %dma_start3A_92 = arith.constant 0 : i32
    %dma_start3A_93 = tpu.memref_slice %arg2[%dma_start3A_91, %dma_start3A_92] : memref<20000x128xf32, #tpu.memory_space<hbm>> -> memref<20000x128xf32, #tpu.memory_space<hbm>>
    tpu.enqueue_indirect_dma source(%dma_start3A_93 : memref<20000x128xf32, #tpu.memory_space<hbm>>) target(%arg9 : memref<128x128xf32, #tpu.memory_space<vmem>>) offsets(%dma_start3A_90 : memref<128xi32, #tpu.memory_space<vmem>>) semaphore(%arg12 : memref<!tpu.dma_semaphore, #tpu.memory_space<semaphore_mem>>)
    %dma_wait3A_94 = arith.constant 38 : i32
    %dma_wait3A_95 = arith.constant 0 : i32
    %dma_wait3A_96 = tpu.memref_slice %arg6[%dma_wait3A_94, %dma_wait3A_95] : memref<40x128xi32, #tpu.memory_space<vmem>> -> memref<1x128xi32, #tpu.memory_space<vmem>>
    %dma_wait3A_97 = tpu.memref_squeeze %dma_wait3A_96 : memref<1x128xi32, #tpu.memory_space<vmem>> -> memref<128xi32, #tpu.memory_space<vmem>>
    %dma_wait3A_98 = arith.constant 0 : i32
    %dma_wait3A_99 = arith.constant 0 : i32
    %dma_wait3A_100 = tpu.memref_slice %arg2[%dma_wait3A_98, %dma_wait3A_99] : memref<20000x128xf32, #tpu.memory_space<hbm>> -> memref<20000x128xf32, #tpu.memory_space<hbm>>
    tpu.wait_indirect_dma semaphore(%arg11 : memref<!tpu.dma_semaphore, #tpu.memory_space<semaphore_mem>>) src(%dma_wait3A_100 : memref<20000x128xf32, #tpu.memory_space<hbm>>) dst(%arg8 : memref<128x128xf32, #tpu.memory_space<vmem>>)
    %run_scoped3A_101 = arith.constant 38 : i32
    "tpu.region"() ({
      %run_scoped3A_117 = tpu.sem_alloc : memref<!tpu.dma_semaphore, #tpu.memory_space<semaphore_mem>>
      %dma_start3A_118 = arith.constant 0 : i32
      %dma_start3A_119 = tpu.memref_slice %arg7[%run_scoped3A_101, %dma_start3A_118] : memref<40x128xi32, #tpu.memory_space<vmem>> -> memref<1x128xi32, #tpu.memory_space<vmem>>
      %dma_start3A_120 = tpu.memref_squeeze %dma_start3A_119 : memref<1x128xi32, #tpu.memory_space<vmem>> -> memref<128xi32, #tpu.memory_space<vmem>>
      %dma_start3A_121 = arith.constant 0 : i32
      %dma_start3A_122 = arith.constant 0 : i32
      %dma_start3A_123 = tpu.memref_slice %arg10[%dma_start3A_121, %dma_start3A_122] : memref<10008x128xf32, #tpu.memory_space<vmem_shared>> -> memref<10008x128xf32, #tpu.memory_space<vmem_shared>>
      tpu.enqueue_indirect_dma source(%arg8 : memref<128x128xf32, #tpu.memory_space<vmem>>) target(%dma_start3A_123 : memref<10008x128xf32, #tpu.memory_space<vmem_shared>>) offsets(%dma_start3A_120 : memref<128xi32, #tpu.memory_space<vmem>>) semaphore(%run_scoped3A_117 : memref<!tpu.dma_semaphore, #tpu.memory_space<semaphore_mem>>) {add = true}
      %dma_wait3A_124 = arith.constant 0 : i32
      %dma_wait3A_125 = tpu.memref_slice %arg7[%run_scoped3A_101, %dma_wait3A_124] : memref<40x128xi32, #tpu.memory_space<vmem>> -> memref<1x128xi32, #tpu.memory_space<vmem>>
      %dma_wait3A_126 = tpu.memref_squeeze %dma_wait3A_125 : memref<1x128xi32, #tpu.memory_space<vmem>> -> memref<128xi32, #tpu.memory_space<vmem>>
      %dma_wait3A_127 = arith.constant 0 : i32
      %dma_wait3A_128 = arith.constant 0 : i32
      %dma_wait3A_129 = tpu.memref_slice %arg10[%dma_wait3A_127, %dma_wait3A_128] : memref<10008x128xf32, #tpu.memory_space<vmem_shared>> -> memref<10008x128xf32, #tpu.memory_space<vmem_shared>>
      tpu.wait_indirect_dma semaphore(%run_scoped3A_117 : memref<!tpu.dma_semaphore, #tpu.memory_space<semaphore_mem>>) src(%arg8 : memref<128x128xf32, #tpu.memory_space<vmem>>) dst(%dma_wait3A_129 : memref<10008x128xf32, #tpu.memory_space<vmem_shared>>)
      tpu.yield
    }) : () -> ()
    %dma_wait3A_102 = arith.constant 39 : i32
    %dma_wait3A_103 = arith.constant 0 : i32
    %dma_wait3A_104 = tpu.memref_slice %arg6[%dma_wait3A_102, %dma_wait3A_103] : memref<40x128xi32, #tpu.memory_space<vmem>> -> memref<1x128xi32, #tpu.memory_space<vmem>>
    %dma_wait3A_105 = tpu.memref_squeeze %dma_wait3A_104 : memref<1x128xi32, #tpu.memory_space<vmem>> -> memref<128xi32, #tpu.memory_space<vmem>>
    %dma_wait3A_106 = arith.constant 0 : i32
    %dma_wait3A_107 = arith.constant 0 : i32
    %dma_wait3A_108 = tpu.memref_slice %arg2[%dma_wait3A_106, %dma_wait3A_107] : memref<20000x128xf32, #tpu.memory_space<hbm>> -> memref<20000x128xf32, #tpu.memory_space<hbm>>
    tpu.wait_indirect_dma semaphore(%arg12 : memref<!tpu.dma_semaphore, #tpu.memory_space<semaphore_mem>>) src(%dma_wait3A_108 : memref<20000x128xf32, #tpu.memory_space<hbm>>) dst(%arg9 : memref<128x128xf32, #tpu.memory_space<vmem>>)
    %run_scoped3A_109 = arith.constant 39 : i32
    "tpu.region"() ({
      %run_scoped3A_117 = tpu.sem_alloc : memref<!tpu.dma_semaphore, #tpu.memory_space<semaphore_mem>>
      %dma_start3A_118 = arith.constant 0 : i32
      %dma_start3A_119 = tpu.memref_slice %arg7[%run_scoped3A_109, %dma_start3A_118] : memref<40x128xi32, #tpu.memory_space<vmem>> -> memref<1x128xi32, #tpu.memory_space<vmem>>
      %dma_start3A_120 = tpu.memref_squeeze %dma_start3A_119 : memref<1x128xi32, #tpu.memory_space<vmem>> -> memref<128xi32, #tpu.memory_space<vmem>>
      %dma_start3A_121 = arith.constant 0 : i32
      %dma_start3A_122 = arith.constant 0 : i32
      %dma_start3A_123 = tpu.memref_slice %arg10[%dma_start3A_121, %dma_start3A_122] : memref<10008x128xf32, #tpu.memory_space<vmem_shared>> -> memref<10008x128xf32, #tpu.memory_space<vmem_shared>>
      tpu.enqueue_indirect_dma source(%arg9 : memref<128x128xf32, #tpu.memory_space<vmem>>) target(%dma_start3A_123 : memref<10008x128xf32, #tpu.memory_space<vmem_shared>>) offsets(%dma_start3A_120 : memref<128xi32, #tpu.memory_space<vmem>>) semaphore(%run_scoped3A_117 : memref<!tpu.dma_semaphore, #tpu.memory_space<semaphore_mem>>) {add = true}
      %dma_wait3A_124 = arith.constant 0 : i32
      %dma_wait3A_125 = tpu.memref_slice %arg7[%run_scoped3A_109, %dma_wait3A_124] : memref<40x128xi32, #tpu.memory_space<vmem>> -> memref<1x128xi32, #tpu.memory_space<vmem>>
      %dma_wait3A_126 = tpu.memref_squeeze %dma_wait3A_125 : memref<1x128xi32, #tpu.memory_space<vmem>> -> memref<128xi32, #tpu.memory_space<vmem>>
      %dma_wait3A_127 = arith.constant 0 : i32
      %dma_wait3A_128 = arith.constant 0 : i32
      %dma_wait3A_129 = tpu.memref_slice %arg10[%dma_wait3A_127, %dma_wait3A_128] : memref<10008x128xf32, #tpu.memory_space<vmem_shared>> -> memref<10008x128xf32, #tpu.memory_space<vmem_shared>>
      tpu.wait_indirect_dma semaphore(%run_scoped3A_117 : memref<!tpu.dma_semaphore, #tpu.memory_space<semaphore_mem>>) src(%arg9 : memref<128x128xf32, #tpu.memory_space<vmem>>) dst(%dma_wait3A_129 : memref<10008x128xf32, #tpu.memory_space<vmem_shared>>)
      tpu.yield
    }) : () -> ()
    %barrier3A_110 = arith.constant 0 : index
    tpu.barrier barrier_id(%barrier3A_110)
    %lt3A = arith.constant 15 : i32
    %lt3A_111 = arith.cmpi slt, %arg1, %lt3A : i32
    %convert_element_type3A = arith.extui %lt3A_111 : i1 to i32
    %cond3A = arith.constant 0 : i32
    %cond3A_112 = arith.cmpi ne, %convert_element_type3A, %cond3A : i32
    scf.if %cond3A_112 {
      %mul3A_117 = arith.constant 624 : i32
      %mul3A_118 = arith.muli %arg1, %mul3A_117 : i32
      %mul3A_119 = arith.constant 624 : i32
      %mul3A_120 = arith.muli %arg1, %mul3A_119 : i32
      "tpu.region"() ({
        %run_scoped3A_121 = tpu.sem_alloc : memref<!tpu.dma_semaphore, #tpu.memory_space<semaphore_mem>>
        %dma_start3A_122 = arith.constant 0 : i32
        %dma_start3A_123 = tpu.memref_slice %arg5[%arg0, %mul3A_120, %dma_start3A_122] : memref<2x10000x128xf32, #tpu.memory_space<hbm>> -> memref<1x624x128xf32, #tpu.memory_space<hbm>>
        %dma_start3A_124 = tpu.memref_squeeze %dma_start3A_123 : memref<1x624x128xf32, #tpu.memory_space<hbm>> -> memref<624x128xf32, #tpu.memory_space<hbm>>
        %dma_start3A_125 = arith.constant 0 : i32
        %dma_start3A_126 = tpu.memref_slice %arg10[%mul3A_118, %dma_start3A_125] : memref<10008x128xf32, #tpu.memory_space<vmem_shared>> -> memref<624x128xf32, #tpu.memory_space<vmem_shared>>
        tpu.enqueue_dma source(%dma_start3A_126 : memref<624x128xf32, #tpu.memory_space<vmem_shared>>) target(%dma_start3A_124 : memref<624x128xf32, #tpu.memory_space<hbm>>) target_semaphore(%run_scoped3A_121 : memref<!tpu.dma_semaphore, #tpu.memory_space<semaphore_mem>>)
        %dma_wait3A_127 = arith.constant 0 : i32
        %dma_wait3A_128 = tpu.memref_slice %arg5[%arg0, %mul3A_120, %dma_wait3A_127] : memref<2x10000x128xf32, #tpu.memory_space<hbm>> -> memref<1x624x128xf32, #tpu.memory_space<hbm>>
        %dma_wait3A_129 = tpu.memref_squeeze %dma_wait3A_128 : memref<1x624x128xf32, #tpu.memory_space<hbm>> -> memref<624x128xf32, #tpu.memory_space<hbm>>
        %dma_wait3A_130 = arith.constant 0 : i32
        %dma_wait3A_131 = tpu.memref_slice %arg10[%mul3A_118, %dma_wait3A_130] : memref<10008x128xf32, #tpu.memory_space<vmem_shared>> -> memref<624x128xf32, #tpu.memory_space<vmem_shared>>
        tpu.wait_dma2 semaphore(%run_scoped3A_121 : memref<!tpu.dma_semaphore, #tpu.memory_space<semaphore_mem>>) src(%dma_wait3A_131 : memref<624x128xf32, #tpu.memory_space<vmem_shared>>) dst(%dma_wait3A_129 : memref<624x128xf32, #tpu.memory_space<hbm>>)
        tpu.yield
      }) : () -> ()
    } else {
    }
    %eq3A = arith.constant 15 : i32
    %eq3A_113 = arith.cmpi eq, %arg1, %eq3A : i32
    %convert_element_type3A_114 = arith.extui %eq3A_113 : i1 to i32
    %cond3A_115 = arith.constant 0 : i32
    %cond3A_116 = arith.cmpi ne, %convert_element_type3A_114, %cond3A_115 : i32
    scf.if %cond3A_116 {
      "tpu.region"() ({
        %run_scoped3A_117 = tpu.sem_alloc : memref<!tpu.dma_semaphore, #tpu.memory_space<semaphore_mem>>
        %dma_start3A_118 = arith.constant 9360 : i32
        %dma_start3A_119 = arith.constant 0 : i32
        %dma_start3A_120 = tpu.memref_slice %arg5[%arg0, %dma_start3A_118, %dma_start3A_119] : memref<2x10000x128xf32, #tpu.memory_space<hbm>> -> memref<1x640x128xf32, #tpu.memory_space<hbm>>
        %dma_start3A_121 = tpu.memref_squeeze %dma_start3A_120 : memref<1x640x128xf32, #tpu.memory_space<hbm>> -> memref<640x128xf32, #tpu.memory_space<hbm>>
        %dma_start3A_122 = arith.constant 9360 : i32
        %dma_start3A_123 = arith.constant 0 : i32
        %dma_start3A_124 = tpu.memref_slice %arg10[%dma_start3A_122, %dma_start3A_123] : memref<10008x128xf32, #tpu.memory_space<vmem_shared>> -> memref<640x128xf32, #tpu.memory_space<vmem_shared>>
        tpu.enqueue_dma source(%dma_start3A_124 : memref<640x128xf32, #tpu.memory_space<vmem_shared>>) target(%dma_start3A_121 : memref<640x128xf32, #tpu.memory_space<hbm>>) target_semaphore(%run_scoped3A_117 : memref<!tpu.dma_semaphore, #tpu.memory_space<semaphore_mem>>)
        %dma_wait3A_125 = arith.constant 9360 : i32
        %dma_wait3A_126 = arith.constant 0 : i32
        %dma_wait3A_127 = tpu.memref_slice %arg5[%arg0, %dma_wait3A_125, %dma_wait3A_126] : memref<2x10000x128xf32, #tpu.memory_space<hbm>> -> memref<1x640x128xf32, #tpu.memory_space<hbm>>
        %dma_wait3A_128 = tpu.memref_squeeze %dma_wait3A_127 : memref<1x640x128xf32, #tpu.memory_space<hbm>> -> memref<640x128xf32, #tpu.memory_space<hbm>>
        %dma_wait3A_129 = arith.constant 9360 : i32
        %dma_wait3A_130 = arith.constant 0 : i32
        %dma_wait3A_131 = tpu.memref_slice %arg10[%dma_wait3A_129, %dma_wait3A_130] : memref<10008x128xf32, #tpu.memory_space<vmem_shared>> -> memref<640x128xf32, #tpu.memory_space<vmem_shared>>
        tpu.wait_dma2 semaphore(%run_scoped3A_117 : memref<!tpu.dma_semaphore, #tpu.memory_space<semaphore_mem>>) src(%dma_wait3A_131 : memref<640x128xf32, #tpu.memory_space<vmem_shared>>) dst(%dma_wait3A_128 : memref<640x128xf32, #tpu.memory_space<hbm>>)
        tpu.yield
      }) : () -> ()
    } else {
    }
    return
  }
}

module attributes {stable_mosaic.version = 14 : i64} {
  func.func @_mm_body(%arg0: i32, %arg1: memref<2000x2xf32, #tpu.memory_space<vmem>>, %arg2: memref<2000x256xf32, #tpu.memory_space<vmem>>, %arg3: memref<256x256xf32, #tpu.memory_space<vmem>>, %arg4: memref<2x2000x128xf32, #tpu.memory_space<vmem>>) attributes {dimension_semantics = [#tpu.dimension_semantics<arbitrary>], iteration_bounds = array<i64: 5>, scalar_prefetch = 0 : i64, scratch_operands = 0 : i64, tpu.core_type = #tpu.core_type<tc>, window_params = [{transform_indices = @transform_0, window_bounds = array<i64: 2000, 2>}, {transform_indices = @transform_1, window_bounds = array<i64: 2000, 256>}, {pipeline_mode = #tpu.pipeline_mode<synchronous>, transform_indices = @transform_2, window_bounds = array<i64: 256, 256>}, {transform_indices = @transform_3, window_bounds = array<i64: 2, 2000, 128>}]} {
    %get3A = arith.constant 0 : index
    %get3A_0 = arith.constant 0 : index
    %get3A_1 = vector.load %arg1[%get3A, %get3A_0] : memref<2000x2xf32, #tpu.memory_space<vmem>>, vector<2000x1xf32>
    %max3A = arith.constant 1.000000e+00 : f32
    %max3A_2 = vector.broadcast %max3A : f32 to vector<2000x1xf32>
    %max3A_3 = arith.maximumf %get3A_1, %max3A_2 : vector<2000x1xf32>
    %rsqrt3A = math.rsqrt %max3A_3 : vector<2000x1xf32>
    %get3A_4 = arith.constant 0 : index
    %get3A_5 = arith.constant 0 : index
    %get3A_6 = vector.load %arg2[%get3A_4, %get3A_5] : memref<2000x256xf32, #tpu.memory_space<vmem>>, vector<2000x256xf32>
    %mul3A = vector.broadcast %rsqrt3A : vector<2000x1xf32> to vector<2000x256xf32>
    %mul3A_7 = arith.mulf %get3A_6, %mul3A : vector<2000x256xf32>
    %get3A_8 = arith.constant 0 : index
    %get3A_9 = arith.constant 0 : index
    %get3A_10 = vector.load %arg3[%get3A_8, %get3A_9] : memref<256x256xf32, #tpu.memory_space<vmem>>, vector<256x256xf32>
    %dot_general3A = arith.constant dense<0.000000e+00> : vector<2000x256xf32>
    %dot_general3A_11 = tpu.matmul %mul3A_7, %get3A_10, %dot_general3A {dimension_numbers = #tpu.dot_dimension_numbers<[1], [0], [0], [1], [0, 0, 1, 1], [], []>, transpose_lhs_hint = false} : vector<2000x256xf32>, vector<256x256xf32>, vector<2000x256xf32> -> vector<2000x256xf32>
    %slice3A = vector.extract_strided_slice %dot_general3A_11 {offsets = [0, 0], sizes = [2000, 128], strides = [1, 1]} : vector<2000x256xf32> to vector<2000x128xf32>
    %swap3A = arith.constant 0 : index
    %swap3A_12 = arith.constant 0 : index
    %swap3A_13 = arith.constant 0 : index
    %swap3A_14 = vector.load %arg4[%swap3A, %swap3A_12, %swap3A_13] : memref<2x2000x128xf32, #tpu.memory_space<vmem>>, vector<1x2000x128xf32>
    %swap3A_15 = vector.shape_cast %swap3A_14 : vector<1x2000x128xf32> to vector<2000x128xf32>
    %swap3A_16 = vector.shape_cast %slice3A : vector<2000x128xf32> to vector<1x2000x128xf32>
    tpu.vector_store %arg4[%swap3A, %swap3A_12, %swap3A_13], %swap3A_16 {strides = array<i32>} : memref<2x2000x128xf32, #tpu.memory_space<vmem>>, vector<1x2000x128xf32>,
    %slice3A_17 = vector.extract_strided_slice %dot_general3A_11 {offsets = [0, 128], sizes = [2000, 128], strides = [1, 1]} : vector<2000x256xf32> to vector<2000x128xf32>
    %swap3A_18 = arith.constant 1 : index
    %swap3A_19 = arith.constant 0 : index
    %swap3A_20 = arith.constant 0 : index
    %swap3A_21 = vector.load %arg4[%swap3A_18, %swap3A_19, %swap3A_20] : memref<2x2000x128xf32, #tpu.memory_space<vmem>>, vector<1x2000x128xf32>
    %swap3A_22 = vector.shape_cast %swap3A_21 : vector<1x2000x128xf32> to vector<2000x128xf32>
    %swap3A_23 = vector.shape_cast %slice3A_17 : vector<2000x128xf32> to vector<1x2000x128xf32>
    tpu.vector_store %arg4[%swap3A_18, %swap3A_19, %swap3A_20], %swap3A_23 {strides = array<i32>} : memref<2x2000x128xf32, #tpu.memory_space<vmem>>, vector<1x2000x128xf32>,
    return
  }
  func.func @transform_0(%arg0: i32) -> (i32, i32) {
    %c0_i32 = arith.constant 0 : i32
    %c0_i32_0 = arith.constant 0 : i32
    return %arg0, %c0_i32 : i32, i32
  }
  func.func @transform_1(%arg0: i32) -> (i32, i32) {
    %c0_i32 = arith.constant 0 : i32
    %c0_i32_0 = arith.constant 0 : i32
    return %arg0, %c0_i32 : i32, i32
  }
  func.func @transform_2(%arg0: i32) -> (i32, i32) {
    %c0_i32 = arith.constant 0 : i32
    %c0_i32_0 = arith.constant 0 : i32
    %c0_i32_1 = arith.constant 0 : i32
    return %c0_i32, %c0_i32_0 : i32, i32
  }
  func.func @transform_3(%arg0: i32) -> (i32, i32, i32) {
    %c0_i32 = arith.constant 0 : i32
    %c0_i32_0 = arith.constant 0 : i32
    %c0_i32_1 = arith.constant 0 : i32
    return %c0_i32, %arg0, %c0_i32_0 : i32, i32, i32
  }
}

module attributes {stable_mosaic.version = 14 : i64} {
  func.func @_fin_body(%arg0: i32, %arg1: memref<2x2000x128xf32, #tpu.memory_space<vmem>>, %arg2: memref<2000x2xf32, #tpu.memory_space<vmem>>, %arg3: memref<128x256xf32, #tpu.memory_space<vmem>>, %arg4: memref<1x128xf32, #tpu.memory_space<vmem>>, %arg5: memref<10x128xf32, #tpu.memory_space<vmem>>, %arg6: memref<1x10xf32, #tpu.memory_space<vmem>>, %arg7: memref<8x256xf32, #tpu.memory_space<vmem>>) attributes {dimension_semantics = [#tpu.dimension_semantics<arbitrary>], iteration_bounds = array<i64: 5>, scalar_prefetch = 0 : i64, scratch_operands = 1 : i64, tpu.core_type = #tpu.core_type<tc>, window_params = [{transform_indices = @transform_0, window_bounds = array<i64: 2, 2000, 128>}, {transform_indices = @transform_1, window_bounds = array<i64: 2000, 2>}, {pipeline_mode = #tpu.pipeline_mode<synchronous>, transform_indices = @transform_2, window_bounds = array<i64: 128, 256>}, {pipeline_mode = #tpu.pipeline_mode<synchronous>, transform_indices = @transform_3, window_bounds = array<i64: 1, 128>}, {pipeline_mode = #tpu.pipeline_mode<synchronous>, transform_indices = @transform_4, window_bounds = array<i64: 10, 128>}, {pipeline_mode = #tpu.pipeline_mode<synchronous>, transform_indices = @transform_5, window_bounds = array<i64: 1, 10>}]} {
    %get3A = arith.constant 0 : index
    %get3A_0 = arith.constant 1 : index
    %get3A_1 = vector.load %arg2[%get3A, %get3A_0] : memref<2000x2xf32, #tpu.memory_space<vmem>>, vector<2000x1xf32>
    %max3A = arith.constant 1.000000e+00 : f32
    %max3A_2 = vector.broadcast %max3A : f32 to vector<2000x1xf32>
    %max3A_3 = arith.maximumf %get3A_1, %max3A_2 : vector<2000x1xf32>
    %rsqrt3A = math.rsqrt %max3A_3 : vector<2000x1xf32>
    %broadcast_in_dim3A = arith.constant 1.000000e+00 : f32
    %broadcast_in_dim3A_4 = vector.broadcast %broadcast_in_dim3A : f32 to vector<1x2000xf32>
    %get3A_5 = arith.constant 0 : index
    %get3A_6 = arith.constant 0 : index
    %get3A_7 = arith.constant 0 : index
    %get3A_8 = vector.load %arg1[%get3A_5, %get3A_6, %get3A_7] : memref<2x2000x128xf32, #tpu.memory_space<vmem>>, vector<1x2000x128xf32>
    %get3A_9 = vector.shape_cast %get3A_8 : vector<1x2000x128xf32> to vector<2000x128xf32>
    %mul3A = vector.broadcast %rsqrt3A : vector<2000x1xf32> to vector<2000x128xf32>
    %mul3A_10 = arith.mulf %get3A_9, %mul3A : vector<2000x128xf32>
    %ge3A = arith.constant 0.000000e+00 : f32
    %ge3A_11 = vector.broadcast %ge3A : f32 to vector<2000x128xf32>
    %ge3A_12 = arith.cmpf oge, %mul3A_10, %ge3A_11 : vector<2000x128xf32>
    %mul3A_13 = arith.constant 0.00999999977 : f32
    %mul3A_14 = vector.broadcast %mul3A_13 : f32 to vector<2000x128xf32>
    %mul3A_15 = arith.mulf %mul3A_14, %mul3A_10 : vector<2000x128xf32>
    %select_n3A = arith.select %ge3A_12, %mul3A_10, %mul3A_15 : vector<2000x128xi1>, vector<2000x128xf32>
    %get3A_16 = arith.constant 1 : index
    %get3A_17 = arith.constant 0 : index
    %get3A_18 = arith.constant 0 : index
    %get3A_19 = vector.load %arg1[%get3A_16, %get3A_17, %get3A_18] : memref<2x2000x128xf32, #tpu.memory_space<vmem>>, vector<1x2000x128xf32>
    %get3A_20 = vector.shape_cast %get3A_19 : vector<1x2000x128xf32> to vector<2000x128xf32>
    %mul3A_21 = vector.broadcast %rsqrt3A : vector<2000x1xf32> to vector<2000x128xf32>
    %mul3A_22 = arith.mulf %get3A_20, %mul3A_21 : vector<2000x128xf32>
    %ge3A_23 = arith.constant 0.000000e+00 : f32
    %ge3A_24 = vector.broadcast %ge3A_23 : f32 to vector<2000x128xf32>
    %ge3A_25 = arith.cmpf oge, %mul3A_22, %ge3A_24 : vector<2000x128xf32>
    %mul3A_26 = arith.constant 0.00999999977 : f32
    %mul3A_27 = vector.broadcast %mul3A_26 : f32 to vector<2000x128xf32>
    %mul3A_28 = arith.mulf %mul3A_27, %mul3A_22 : vector<2000x128xf32>
    %select_n3A_29 = arith.select %ge3A_25, %mul3A_22, %mul3A_28 : vector<2000x128xi1>, vector<2000x128xf32>
    %dot_general3A = arith.constant dense<0.000000e+00> : vector<1x128xf32>
    %dot_general3A_30 = tpu.matmul %broadcast_in_dim3A_4, %select_n3A, %dot_general3A {dimension_numbers = #tpu.dot_dimension_numbers<[1], [0], [0], [1], [0, 0, 1, 1], [], []>, transpose_lhs_hint = false} : vector<1x2000xf32>, vector<2000x128xf32>, vector<1x128xf32> -> vector<1x128xf32>
    %dot_general3A_31 = arith.constant dense<0.000000e+00> : vector<1x128xf32>
    %dot_general3A_32 = tpu.matmul %broadcast_in_dim3A_4, %select_n3A_29, %dot_general3A_31 {dimension_numbers = #tpu.dot_dimension_numbers<[1], [0], [0], [1], [0, 0, 1, 1], [], []>, transpose_lhs_hint = false} : vector<1x2000xf32>, vector<2000x128xf32>, vector<1x128xf32> -> vector<1x128xf32>
    %eq3A = arith.constant 0 : i32
    %eq3A_33 = arith.cmpi eq, %arg0, %eq3A : i32
    %convert_element_type3A = arith.extui %eq3A_33 : i1 to i32
    %cond3A = arith.constant 0 : i32
    %cond3A_34 = arith.cmpi ne, %convert_element_type3A, %cond3A : i32
    scf.if %cond3A_34 {
      %swap3A = arith.constant 0 : index
      %swap3A_44 = arith.constant 0 : index
      %swap3A_45 = vector.load %arg7[%swap3A, %swap3A_44] : memref<8x256xf32, #tpu.memory_space<vmem>>, vector<1x128xf32>
      tpu.vector_store %arg7[%swap3A, %swap3A_44], %dot_general3A_30 {strides = array<i32>} : memref<8x256xf32, #tpu.memory_space<vmem>>, vector<1x128xf32>,
      %swap3A_46 = arith.constant 0 : index
      %swap3A_47 = arith.constant 128 : index
      %swap3A_48 = vector.load %arg7[%swap3A_46, %swap3A_47] : memref<8x256xf32, #tpu.memory_space<vmem>>, vector<1x128xf32>
      tpu.vector_store %arg7[%swap3A_46, %swap3A_47], %dot_general3A_32 {strides = array<i32>} : memref<8x256xf32, #tpu.memory_space<vmem>>, vector<1x128xf32>,
    } else {
    }
    %gt3A = arith.constant 0 : i32
    %gt3A_35 = arith.cmpi sgt, %arg0, %gt3A : i32
    %convert_element_type3A_36 = arith.extui %gt3A_35 : i1 to i32
    %cond3A_37 = arith.constant 0 : i32
    %cond3A_38 = arith.cmpi ne, %convert_element_type3A_36, %cond3A_37 : i32
    scf.if %cond3A_38 {
      %get3A_44 = arith.constant 0 : index
      %get3A_45 = arith.constant 0 : index
      %get3A_46 = vector.load %arg7[%get3A_44, %get3A_45] : memref<8x256xf32, #tpu.memory_space<vmem>>, vector<1x128xf32>
      %add3A = arith.addf %get3A_46, %dot_general3A_30 : vector<1x128xf32>
      %swap3A = arith.constant 0 : index
      %swap3A_47 = arith.constant 0 : index
      %swap3A_48 = vector.load %arg7[%swap3A, %swap3A_47] : memref<8x256xf32, #tpu.memory_space<vmem>>, vector<1x128xf32>
      tpu.vector_store %arg7[%swap3A, %swap3A_47], %add3A {strides = array<i32>} : memref<8x256xf32, #tpu.memory_space<vmem>>, vector<1x128xf32>,
      %get3A_49 = arith.constant 0 : index
      %get3A_50 = arith.constant 128 : index
      %get3A_51 = vector.load %arg7[%get3A_49, %get3A_50] : memref<8x256xf32, #tpu.memory_space<vmem>>, vector<1x128xf32>
      %add3A_52 = arith.addf %get3A_51, %dot_general3A_32 : vector<1x128xf32>
      %swap3A_53 = arith.constant 0 : index
      %swap3A_54 = arith.constant 128 : index
      %swap3A_55 = vector.load %arg7[%swap3A_53, %swap3A_54] : memref<8x256xf32, #tpu.memory_space<vmem>>, vector<1x128xf32>
      tpu.vector_store %arg7[%swap3A_53, %swap3A_54], %add3A_52 {strides = array<i32>} : memref<8x256xf32, #tpu.memory_space<vmem>>, vector<1x128xf32>,
    } else {
    }
    %eq3A_39 = arith.constant 4 : i32
    %eq3A_40 = arith.cmpi eq, %arg0, %eq3A_39 : i32
    %convert_element_type3A_41 = arith.extui %eq3A_40 : i1 to i32
    %cond3A_42 = arith.constant 0 : i32
    %cond3A_43 = arith.cmpi ne, %convert_element_type3A_41, %cond3A_42 : i32
    scf.if %cond3A_43 {
      %get3A_44 = arith.constant 0 : index
      %get3A_45 = arith.constant 0 : index
      %get3A_46 = vector.load %arg7[%get3A_44, %get3A_45] : memref<8x256xf32, #tpu.memory_space<vmem>>, vector<1x256xf32>
      %get3A_47 = arith.constant 0 : index
      %get3A_48 = arith.constant 0 : index
      %get3A_49 = vector.load %arg3[%get3A_47, %get3A_48] : memref<128x256xf32, #tpu.memory_space<vmem>>, vector<128x256xf32>
      %dot_general3A_50 = arith.constant dense<0.000000e+00> : vector<1x128xf32>
      %dot_general3A_51 = tpu.matmul %get3A_46, %get3A_49, %dot_general3A_50 {dimension_numbers = #tpu.dot_dimension_numbers<[1], [1], [0], [0], [0, 0, 1, 0], [], []>, precision = #tpu.contract_precision<fp32>, transpose_lhs_hint = false} : vector<1x256xf32>, vector<128x256xf32>, vector<1x128xf32> -> vector<1x128xf32>
      %mul3A_52 = arith.constant 9.99999974E-5 : f32
      %mul3A_53 = vector.broadcast %mul3A_52 : f32 to vector<1x128xf32>
      %mul3A_54 = arith.mulf %dot_general3A_51, %mul3A_53 : vector<1x128xf32>
      %get3A_55 = arith.constant 0 : index
      %get3A_56 = arith.constant 0 : index
      %get3A_57 = vector.load %arg4[%get3A_55, %get3A_56] : memref<1x128xf32, #tpu.memory_space<vmem>>, vector<1x128xf32>
      %add3A = arith.addf %mul3A_54, %get3A_57 : vector<1x128xf32>
      %get3A_58 = arith.constant 0 : index
      %get3A_59 = arith.constant 0 : index
      %get3A_60 = vector.load %arg5[%get3A_58, %get3A_59] : memref<10x128xf32, #tpu.memory_space<vmem>>, vector<10x128xf32>
      %dot_general3A_61 = arith.constant dense<0.000000e+00> : vector<1x10xf32>
      %dot_general3A_62 = tpu.matmul %add3A, %get3A_60, %dot_general3A_61 {dimension_numbers = #tpu.dot_dimension_numbers<[1], [1], [0], [0], [0, 0, 1, 0], [], []>, precision = #tpu.contract_precision<fp32>, transpose_lhs_hint = false} : vector<1x128xf32>, vector<10x128xf32>, vector<1x10xf32> -> vector<1x10xf32>
      %swap3A = arith.constant 0 : index
      %swap3A_63 = arith.constant 0 : index
      %swap3A_64 = vector.load %arg6[%swap3A, %swap3A_63] : memref<1x10xf32, #tpu.memory_space<vmem>>, vector<1x10xf32>
      tpu.vector_store %arg6[%swap3A, %swap3A_63], %dot_general3A_62 {strides = array<i32>} : memref<1x10xf32, #tpu.memory_space<vmem>>, vector<1x10xf32>,
    } else {
    }
    return
  }
  func.func @transform_0(%arg0: i32) -> (i32, i32, i32) {
    %c0_i32 = arith.constant 0 : i32
    %c0_i32_0 = arith.constant 0 : i32
    %c0_i32_1 = arith.constant 0 : i32
    return %c0_i32, %arg0, %c0_i32_0 : i32, i32, i32
  }
  func.func @transform_1(%arg0: i32) -> (i32, i32) {
    %c0_i32 = arith.constant 0 : i32
    %c0_i32_0 = arith.constant 0 : i32
    return %arg0, %c0_i32 : i32, i32
  }
  func.func @transform_2(%arg0: i32) -> (i32, i32) {
    %c0_i32 = arith.constant 0 : i32
    %c0_i32_0 = arith.constant 0 : i32
    %c0_i32_1 = arith.constant 0 : i32
    return %c0_i32, %c0_i32_0 : i32, i32
  }
  func.func @transform_3(%arg0: i32) -> (i32, i32) {
    %c0_i32 = arith.constant 0 : i32
    %c0_i32_0 = arith.constant 0 : i32
    %c0_i32_1 = arith.constant 0 : i32
    return %c0_i32, %c0_i32_0 : i32, i32
  }
  func.func @transform_4(%arg0: i32) -> (i32, i32) {
    %c0_i32 = arith.constant 0 : i32
    %c0_i32_0 = arith.constant 0 : i32
    %c0_i32_1 = arith.constant 0 : i32
    return %c0_i32, %c0_i32_0 : i32, i32
  }
  func.func @transform_5(%arg0: i32) -> (i32, i32) {
    %c0_i32 = arith.constant 0 : i32
    %c0_i32_0 = arith.constant 0 : i32
    %c0_i32_1 = arith.constant 0 : i32
    return %c0_i32, %c0_i32_0 : i32, i32
  }
}

</mosaic_0001>

<sc_bundles>
// kernel: kernel.6.cloned.1.call-start
scs
__scs_entry_jumppad:
0x0: {  	(pc) =	sbr.rel $0x88, $3  }
0x1: {  	(tag) =	ssettag $0x0;
	lr =	simm.s32 $0x1  }
0x2: {  	[smem:$0x3F9B] =	sst lr;
	_ =	strace $0xD0000000  }
0x3: {  	_ = 	snop  }
0x4: {  	_ = 	snop  }
0x5: {  	_ = 	snop  }
0x6: {  	_ = 	snop  }
0x7: {  	_ = 	snop  }
__scs_overlays_trampoline_lowered:
0x8: {  	[smem:$0x3FAA] =	sst s0  }
0x9: {  	[smem:$0x3FAB] =	sst s1  }
0xa: {  	[smem:$0x3FAC] =	sst s2  }
0xb: {  	[smem:$0x3FAD] =	sst s3  }
0xc: {  	[smem:$0x3FAE] =	sst s4  }
0xd: {  	[smem:$0x3FAF] =	sst s5  }
0xe: {  	[smem:$0x3FB0] =	sst s6  }
0xf: {  	[smem:$0x3FB1] =	sst s7  }
0x10: {  	[smem:$0x3FB2] =	sst s8  }
0x11: {  	[smem:$0x3FB3] =	sst s9;
	s0 =	simm.s32 @!p0 $0x0  }
0x12: {  	s1 =	sld [smem:$0x3F99];
	s0 =	simm.s32 @p0 $0x1  }
0x13: {  	[smem:$0x3FB4] =	sst s0;
	s0 =	simm.s32 @!p1 $0x0  }
0x14: {  	s2 =	sld [smem:$0x3F98];
	s0 =	simm.s32 @p1 $0x1  }
0x15: {  	[smem:$0x3FB5] =	sst s0;
	s0 =	simm.s32 @!p2 $0x0  }
0x16: {  	s3 =	sld [smem:$0x3FDB];
	s0 =	simm.s32 @p2 $0x1  }
0x17: {  	s4 =	simm.s32 $0x1BF5;
	[smem:$0x3FB7] =	sst s0  }
0x18: {  	s0 =	sld [smem:$0x3F9A];
	_ =	swait.ge [sflag:s4], $0x0  }
0x19: {  	s7 =	sld [smem:$0x3F9B]  }
0x1a: {  	s8 =	sadd.s32 $0xFFFFE003, lr  }
0x1b: {  	s9 =	sadd.s32 $0xFFFFFEF7, lr;
	s5 =	simm.s32 $0xFFFFFFFF;
	p2 =	slt.u32 s8, $0xFFFFF086  }
0x1c: {  	p1 =	slt.u32 s9, $0xF7A;
	s5 =	simm.s32 @!p2 $0x0  }
0x1d: {  	s5 =	simm.s32 @p1 $0x1;
	p0 =	seq.s32 s7, s2  }
0x1e: {  	s7 =	smul.u32 @!p0 $0xF7A, s2;
	p2 =	seq.s32 @!p0 s5, $0x0  }
0x1f: {  	s9 =	smul.u32 $0xF7A, s1;
	s8 =	simm.s32 @!p0 $0x1BF5;
	p2 =	por !p2, p0  }
0x20: {  	[sflag:s8] =	ssyncset.s32 @!p0 $0xFFFFF086;
	s6 =	sadd.s32 @!p0 s3, s7;
	s7 =	simm.s32 @!p0 $0x108  }
0x21: {  	s3 =	sadd.s32 s3, s9;
	s6 =	sadd.s32 @!p0 $0x88, s6;
	s7 =	simm.s32 @p2 $0x1082  }
0x22: {  	[simem:s7], [sflag:s8] =	dma.local @!p0 [hbm:s6], $0xF7A  }
0x23: {  	s9 =	sor.u32 $0xD0000000, s2;
	s6 =	simm.s32 $0x108;
	_ =	swait.ge @!p0 [sflag:s8], $0x0  }
0x24: {  	s3 =	sadd.s32 $0x88, s3;
	s6 =	simm.s32 @!p1 $0x1082;
	[sflag:s4] =	ssyncset.s32 $0xFFFFF086  }
0x25: {  	[simem:s6], [sflag:s4] =	dma.local [hbm:s3], $0xF7A  }
0x26: {  	[smem:$0x3F9B] =	sst s1;
	(tag) =	ssettag s2;
	_ =	strace s9  }
0x27: {  	s1 =	sld [smem:$0x3FAB]  }
0x28: {  	s2 =	sld [smem:$0x3FAC]  }
0x29: {  	s4 =	sld [smem:$0x3FAE]  }
0x2a: {  	p0 =	seq.s32 s5, $0x0;
	s5 =	sld [smem:$0x3FAF]  }
0x2b: {  	s6 =	sld [smem:$0x3FB0]  }
0x2c: {  	s7 =	sld [smem:$0x3FB1]  }
0x2d: {  	s3 =	simm.s32 $0x108;
	s8 =	sld [smem:$0x3FB2]  }
0x2e: {  	s3 =	simm.s32 @!p0 $0x1082;
	s9 =	sld [smem:$0x3FB3]  }
0x2f: {  	lr =	sadd.s32 s0, s3;
	s0 =	sld [smem:$0x3FAA]  }
0x30: {  	s3 =	sld [smem:$0x3FAD]  }
0x31: {  	[smem:$0x3FB6] =	sst s10  }
0x32: {  	s10 =	sld [smem:$0x3FB4];
	_ =	sdelay $0x3  }
0x33: {  	p0 =	seq.s32 s10, $0x1;
	s10 =	sld [smem:$0x3FB6];
	_ =	sdelay $0x3  }
0x34: {  	[smem:$0x3FB6] =	sst s10  }
0x35: {  	s10 =	sld [smem:$0x3FB5];
	_ =	sdelay $0x3  }
0x36: {  	p1 =	seq.s32 s10, $0x1;
	s10 =	sld [smem:$0x3FB6];
	_ =	sdelay $0x3  }
0x37: {  	[smem:$0x3FB6] =	sst s10  }
0x38: {  	s10 =	sld [smem:$0x3FB7]  }
0x39: {  	_ = 	snop;
	(pc) =	sbr.ind lr, $3  }
0x3a: {  	_ = 	snop  }
0x3b: {  	_ = 	snop  }
0x3c: {  	p2 =	seq.s32 s10, $0x1;
	s10 =	sld [smem:$0x3FB6]  }
0x3d: {  	_ =	shalt  }
0x3e: {  	_ =	shalt  }
0x3f: {  	_ =	shalt  }
0x40: {  	_ =	shalt  }
0x41: {  	_ =	shalt  }
0x42: {  	_ =	shalt  }
0x43: {  	_ =	shalt  }
0x44: {  	_ =	shalt  }
0x45: {  	_ =	shalt  }
0x46: {  	_ =	shalt  }
0x47: {  	_ =	shalt  }
0x48: {  	_ =	shalt  }
0x49: {  	_ =	shalt  }
0x4a: {  	_ =	shalt  }
0x4b: {  	_ =	shalt  }
0x4c: {  	_ =	shalt  }
0x4d: {  	_ =	shalt  }
0x4e: {  	_ =	shalt  }
0x4f: {  	_ =	shalt  }
0x50: {  	_ =	shalt  }
0x51: {  	_ =	shalt  }
0x52: {  	_ =	shalt  }
0x53: {  	_ =	shalt  }
0x54: {  	_ =	shalt  }
0x55: {  	_ =	shalt  }
0x56: {  	_ =	shalt  }
0x57: {  	_ =	shalt  }
0x58: {  	_ =	shalt  }
0x59: {  	_ =	shalt  }
0x5a: {  	_ =	shalt  }
0x5b: {  	_ =	shalt  }
0x5c: {  	_ =	shalt  }
0x5d: {  	_ =	shalt  }
0x5e: {  	_ =	shalt  }
0x5f: {  	_ =	shalt  }
0x60: {  	_ =	shalt  }
0x61: {  	_ =	shalt  }
0x62: {  	_ =	shalt  }
0x63: {  	_ =	shalt  }
0x64: {  	_ =	shalt  }
0x65: {  	_ =	shalt  }
0x66: {  	_ =	shalt  }
0x67: {  	_ =	shalt  }
0x68: {  	_ =	shalt  }
0x69: {  	_ =	shalt  }
0x6a: {  	_ =	shalt  }
0x6b: {  	_ =	shalt  }
0x6c: {  	_ =	shalt  }
0x6d: {  	_ =	shalt  }
0x6e: {  	_ =	shalt  }
0x6f: {  	_ =	shalt  }
0x70: {  	_ =	shalt  }
0x71: {  	_ =	shalt  }
0x72: {  	_ =	shalt  }
0x73: {  	_ =	shalt  }
0x74: {  	_ =	shalt  }
0x75: {  	_ =	shalt  }
0x76: {  	_ =	shalt  }
0x77: {  	_ =	shalt  }
0x78: {  	_ =	shalt  }
0x79: {  	_ =	shalt  }
0x7a: {  	_ =	shalt  }
0x7b: {  	_ =	shalt  }
0x7c: {  	_ =	shalt  }
0x7d: {  	_ =	shalt  }
0x7e: {  	_ =	shalt  }
0x7f: {  	_ =	shalt  }
0x80: {  	_ =	shalt  }
0x81: {  	_ =	shalt  }
0x82: {  	_ =	shalt  }
0x83: {  	_ =	shalt  }
0x84: {  	_ =	shalt  }
0x85: {  	_ =	shalt  }
0x86: {  	_ =	shalt  }
0x87: {  	_ =	shalt  }
.Lfunc_end0:
.L_simem_size_0:
called_computation_lowered:
.L_overlay_start_0:
0x88: {  	s2 =	sld [smem:$0x3FD9]  }
0x89: {  	s3 =	sld [smem:$0x3FFE];
	_ =	sdelay $0x1  }
0x8a: {  	s1 =	srdreg.scid  }
0x8b: {  	s0 =	sand.u32 $0x1, s1  }
0x8c: {  	s16 =	sshll.u32 s0, $0xA;
	s2 =	sadd.s32 s3, s2  }
0x8d: {  	s2 =	sadd.s32 s2, s16  }
0x8e: {  	[smem:$0x3FC2] =	sst s2  }
0x8f: {  	_ = 	snop  }
0x90: {  	(tm) =	ssettm $0x1  }
0x91: {  	s17 =	sld [smem:$0x3FFB];
	_ =	sdelay $0x3  }
0x92: {  	_ =	strace s17  }
0x93: {  	s2 =	sld [smem:$0x3FFC];
	_ =	sdelay $0x3  }
0x94: {  	_ =	strace s2  }
0x95: {  	s2 =	sld [smem:$0x3FFD];
	_ =	sdelay $0x3  }
0x96: {  	_ =	strace s2  }
0x97: {  	_ =	strace $0x8FFFFFFF  }
0x98: {  	s18 =	sld [smem:$0x3FDB];
	_ =	sdelay $0x1  }
0x99: {  	s19 =	simm.s32 $_scs_section_size  }
0x9a: {  	s4 =	simm.s32 $_size__tile_overlayer_lowered;
	s5 =	simm.s32 $_tile_overlayer_lowered  }
0x9b: {  	s22 =	simm.s32 $0x1BFF;
	s21 =	sshll.u32 s5, $0x1;
	s2 =	sadd.s32 s19, s18  }
0x9c: {  	s6 =	simm.s32 $0x0;
	s20 =	sshll.u32 s4, $0x1;
	s4 =	sadd.s32 s21, s2  }
0x9d: {  	[timem:s6], [sflag:s22] =	dma.local [hbm:s4], s20  }
0x9e: {  	_ =	swait.ge [sflag:s22], s20  }
0x9f: {  	s3 =	ssub.s32 $0x0, s20;
	[sflag:s22] =	ssyncset.done $0x0  }
0xa0: {  	[sflag:s22] =	ssyncadd.s32 s3;
	_ =	sdelay $0x1  }
0xa1: {  	s23 =	simm.s32 $0x1B8B  }
0xa2: {  	_ =	swait.ge [sflag:s23], $0x1  }
0xa3: {  	[sflag:s23] =	ssyncset.done $0x0  }
0xa4: {  	s25 =	simm.s32 $0x1B8E;
	s24 =	sld [smem:$0x3FFE];
	[sflag:s23] =	ssyncadd.s32 $0xFFFFFFFF  }
0xa5: {  	s26 =	simm.s32 $execute0_lowered;
	[smem:$0x3FD2] =	sst s25  }
0xa6: {  	s4 =	sshll.u32 s26, $0x1;
	_ =	strace $0x80000046;
	[dreg:$0x1] =	wrdreg $0xFFFFFFFF  }
0xa7: {  	s28 =	simm.s32 $_size_execute0_lowered;
	s2 =	sadd.s32 s2, s4;
	[dreg:$0x0] =	wrdreg $0x0  }
0xa8: {  	s4 =	sshll.u32 s28, $0x1;
	[dreg:$0x2] =	wrdreg s2  }
0xa9: {  	[dreg:$0x3] =	wrdreg s4  }
0xaa: {  	[dreg:$0x4] =	wrdreg $0xC0  }
0xab: {  	_ =	task [dreg:s6], $0x5FFFF  }
0xac: {  	[dreg:$0x1] =	wrdreg $0xFFFFFFFF  }
0xad: {  	[dreg:$0x0] =	wrdreg $0x60  }
0xae: {  	[dreg:$0x2] =	wrdreg s24  }
0xaf: {  	[dreg:$0x3] =	wrdreg $0x28800  }
0xb0: {  	[dreg:$0x4] =	wrdreg $0x9  }
0xb1: {  	_ =	task.clear_ibuf [dreg:s6], $0x5FFFF;
	_ =	strace $0x90000046  }
0xb2: {  	s29 =	simm.s32 $0x9;
	_ =	strace $0x80000048  }
0xb3: {  	_ =	swait.ge [sflag:s29], $0x1  }
0xb4: {  	[sflag:s29] =	ssyncadd.s32 $0xFFFFFFFF  }
0xb5: {  	_ =	strace $0x90000048  }
0xb6: {  	_ =	sfence  }
0xb7: {  	s30 =	sld [smem:$0x0];
	_ =	sdelay $0x2  }
0xb8: {  	s31 =	sshll.u32 s1, $0xD;
	s1 =	sshrl.u32 s1, $0x2  }
0xb9: {  	s3 =	sand.u32 $0x4000, s31;
	s1 =	sadd.s32 s1, s30  }
0xba: {  	s0 =	sor.u32 s3, s0;
	s1 =	sshll.u32 s1, $0x11  }
0xbb: {  	s0 =	sor.u32 s1, s0  }
0xbc: {  	s0 =	sadd.s32 $0x8F2B, s0  }
0xbd: {  	[sflag:s0] =	ssyncadd.remote.s32 $0x1  }
0xbe: {  	_ =	sfence.sel $0xFFFF  }
0xbf: {  	[dreg:$0x0] =	wrdreg $0xFFFFFFFF;
	(pc) =	sbr.abs _section_cstart, $3  }
0xc0: {  	[dreg:$0x1] =	wrdreg $0xFFFFFFFF  }
0xc1: {  	_ =	task.clear_ibuf [dreg:s6], $0x2FFFF;
	_ =	strace $0x9FFFFFFF  }
0xc2: {  	(tm) =	ssettm $0x7FFFFFFF  }
0xc3: {  	_ =	shalt  }
tec
execute0_lowered:
.L_overlay_start_1:
0x0: {  	(tag) =	ssettag $0x1  }
0x1: {  	s0 =	rddreg [dreg:$0x0]  }
0x2: {  	s1 =	rddreg [dreg:$0x1];
	s2 =	simm.s32 $0x0;
	s3 =	srdreg.scid  }
0x3: {  	s7 =	stileid.u32;
	s13 =	simm.s32 $0xA;
	s10 =	simm.s32 $0x80  }
0x4: {  	s11 =	simm.s32 $0x2800;
	s16 =	simm.s32 $0xD00;
	s17 =	simm.s32 $0xD80  }
0x5: {  	s18 =	simm.s32 $0xE00;
	s19 =	simm.s32 $0xE80;
	s20 =	simm.s32 $0xF00  }
0x6: {  	s21 =	simm.s32 $0xF80;
	s22 =	simm.s32 $0x1000;
	s23 =	simm.s32 $0x1080  }
0x7: {  	s24 =	simm.s32 $0x1100;
	s25 =	simm.s32 $0x1180;
	s28 =	simm.s32 $0x1280  }
0x8: {  	s29 =	simm.s32 $0x1300;
	s30 =	simm.s32 $0x1380;
	s31 =	simm.s32 $0x1  }
0x9: {  	[smem:$0x7FF] =	sst s2;
	s4 =	sand.u32 $0x1, s3;
	s3 =	sadd.s32 $0xAE00, s0  }
0xa: {  	s26 =	smul.u32 $0x500, s7;
	p1 =	seq.s32 s7, $0xF;
	_ =	strace $0x80000047  }
0xb: {  	s5 =	sshll.u32 s4, $0x4;
	s6 =	ssub.s32 $0x2, s4;
	p0 =	seq.s32 s4, $0x1  }
0xc: {  	s13 =	simm.s32 @!p1 $0x28;
	s5 =	sadd.s32 s5, s0;
	s8 =	sshrl.u32 s6, $0x1  }
0xd: {  	s6 =	ssub.s32 s6, s8;
	s8 =	simm.s32 $0x5E00;
	s5 =	sadd.s32 $0xB400, s5  }
0xe: {  	s8 =	simm.s32 @!p0 $0xE00;
	s6 =	smax.u32 s6, $0x1;
	p0 =	sne.s32 s7, $0x0  }
0xf: {  	s0 =	sadd.s32 s8, s0;
	s8 =	simm.s32 $0x2;
	s9 =	sshrl.u32 @!p0 s1, $0x3  }
0x10: {  	v0 =	vimm.f32 $1.000000000e+00;
	s7 =	sadd.s32 s0, s26;
	s26 =	simm.s32 $0x1200;
	s0 =	simm.s32 $0x0  }
.LBB2_1:
0x11: {  	[tilespmem:s2], [sflag:$0x2] =	stream.linear.gather [hbm4b:s7+s2], $0x2800, $0x38;
	[tilespmem:$0x2AF8] =	vst v63  }
0x12: {  	_ =	swait.ge [sflag:s8], $0x2800  }
0x13: {  	[sflag:s8] =	ssyncset.done $0x0  }
0x14: {  	[sflag:s8] =	ssyncadd.s32 $0xFFFFD800  }
0x15: {  	[tilespmem:$0x2800] =	vst v0  }
0x16: {  	[tilespmem:$0x2810] =	vst v0  }
0x17: {  	[tilespmem:$0x2820] =	vst v0  }
0x18: {  	[tilespmem:$0x2830] =	vst v0  }
0x19: {  	[tilespmem:$0x2840] =	vst v0  }
0x1a: {  	[tilespmem:$0x2850] =	vst v0  }
0x1b: {  	[tilespmem:$0x2860] =	vst v0  }
0x1c: {  	s4 =	simm.s32 @!p0 $0x1C02;
	[tilespmem:$0x2870] =	vst v0  }
0x1d: {  	[spmem:s9], [sflag:s4] =	dma.local @!p0 [hbm:s3], $0x4F0  }
0x1e: {  	s4 =	simm.s32 @!p0 $0x2  }
0x1f: {  	_ =	swait.ge @!p0 [sflag:s4], $0x4F0  }
0x20: {  	[sflag:s4] =	ssyncset.done @!p0 $0x0  }
0x21: {  	[sflag:s4] =	ssyncadd.s32 @!p0 $0xFFFFFB10  }
0x22: {  	[bflag:$0x0] =	sbarrier.arrive $0xFFFF  }
0x23: {  	[spmem:s1] =	stream.indirect.scatter.add.f32 [tilespmem:s11], [sflag:$0x1], $0x1, s2, s10, $0xb8;
	[tilespmem:$0x2AF8] =	vst v63  }
0x24: {  	_ = 	snop  }
0x25: {  	[spmem:s1] =	stream.indirect.scatter.add.f32 [tilespmem:s11], [sflag:$0x1], $0x1, s10, s10, $0xb8;
	[tilespmem:$0x2AF8] =	vst v63  }
0x26: {  	s12 =	simm.s32 $0x100  }
0x27: {  	[spmem:s1] =	stream.indirect.scatter.add.f32 [tilespmem:s11], [sflag:$0x1], $0x1, s12, s10, $0xb8;
	[tilespmem:$0x2AF8] =	vst v63  }
0x28: {  	s14 =	simm.s32 $0x180  }
0x29: {  	[spmem:s1] =	stream.indirect.scatter.add.f32 [tilespmem:s11], [sflag:$0x1], $0x1, s14, s10, $0xb8;
	[tilespmem:$0x2AF8] =	vst v63  }
0x2a: {  	s15 =	simm.s32 $0x200  }
0x2b: {  	[spmem:s1] =	stream.indirect.scatter.add.f32 [tilespmem:s11], [sflag:$0x1], $0x1, s15, s10, $0xb8;
	[tilespmem:$0x2AF8] =	vst v63  }
0x2c: {  	s12 =	simm.s32 $0x280  }
0x2d: {  	[spmem:s1] =	stream.indirect.scatter.add.f32 [tilespmem:s11], [sflag:$0x1], $0x1, s12, s10, $0xb8;
	[tilespmem:$0x2AF8] =	vst v63  }
0x2e: {  	s14 =	simm.s32 $0x300  }
0x2f: {  	[spmem:s1] =	stream.indirect.scatter.add.f32 [tilespmem:s11], [sflag:$0x1], $0x1, s14, s10, $0xb8;
	[tilespmem:$0x2AF8] =	vst v63  }
0x30: {  	s15 =	simm.s32 $0x380  }
0x31: {  	[spmem:s1] =	stream.indirect.scatter.add.f32 [tilespmem:s11], [sflag:$0x1], $0x1, s15, s10, $0xb8;
	[tilespmem:$0x2AF8] =	vst v63  }
0x32: {  	s12 =	simm.s32 $0x400  }
0x33: {  	[spmem:s1] =	stream.indirect.scatter.add.f32 [tilespmem:s11], [sflag:$0x1], $0x1, s12, s10, $0xb8;
	[tilespmem:$0x2AF8] =	vst v63  }
0x34: {  	s14 =	simm.s32 $0x480  }
0x35: {  	[spmem:s1] =	stream.indirect.scatter.add.f32 [tilespmem:s11], [sflag:$0x1], $0x1, s14, s10, $0xb8;
	[tilespmem:$0x2AF8] =	vst v63  }
0x36: {  	s15 =	simm.s32 $0x500  }
0x37: {  	[spmem:s1] =	stream.indirect.scatter.add.f32 [tilespmem:s11], [sflag:$0x1], $0x1, s15, s10, $0xb8;
	[tilespmem:$0x2AF8] =	vst v63  }
0x38: {  	s12 =	simm.s32 $0x580  }
0x39: {  	[spmem:s1] =	stream.indirect.scatter.add.f32 [tilespmem:s11], [sflag:$0x1], $0x1, s12, s10, $0xb8;
	[tilespmem:$0x2AF8] =	vst v63  }
0x3a: {  	s14 =	simm.s32 $0x600  }
0x3b: {  	[spmem:s1] =	stream.indirect.scatter.add.f32 [tilespmem:s11], [sflag:$0x1], $0x1, s14, s10, $0xb8;
	[tilespmem:$0x2AF8] =	vst v63  }
0x3c: {  	s15 =	simm.s32 $0x680  }
0x3d: {  	[spmem:s1] =	stream.indirect.scatter.add.f32 [tilespmem:s11], [sflag:$0x1], $0x1, s15, s10, $0xb8;
	[tilespmem:$0x2AF8] =	vst v63  }
0x3e: {  	s12 =	simm.s32 $0x700  }
0x3f: {  	[spmem:s1] =	stream.indirect.scatter.add.f32 [tilespmem:s11], [sflag:$0x1], $0x1, s12, s10, $0xb8;
	[tilespmem:$0x2AF8] =	vst v63  }
0x40: {  	s14 =	simm.s32 $0x780  }
0x41: {  	[spmem:s1] =	stream.indirect.scatter.add.f32 [tilespmem:s11], [sflag:$0x1], $0x1, s14, s10, $0xb8;
	[tilespmem:$0x2AF8] =	vst v63  }
0x42: {  	s15 =	simm.s32 $0x800  }
0x43: {  	[spmem:s1] =	stream.indirect.scatter.add.f32 [tilespmem:s11], [sflag:$0x1], $0x1, s15, s10, $0xb8;
	[tilespmem:$0x2AF8] =	vst v63  }
0x44: {  	s12 =	simm.s32 $0x880  }
0x45: {  	[spmem:s1] =	stream.indirect.scatter.add.f32 [tilespmem:s11], [sflag:$0x1], $0x1, s12, s10, $0xb8;
	[tilespmem:$0x2AF8] =	vst v63  }
0x46: {  	s14 =	simm.s32 $0x900  }
0x47: {  	[spmem:s1] =	stream.indirect.scatter.add.f32 [tilespmem:s11], [sflag:$0x1], $0x1, s14, s10, $0xb8;
	[tilespmem:$0x2AF8] =	vst v63  }
0x48: {  	s15 =	simm.s32 $0x980  }
0x49: {  	[spmem:s1] =	stream.indirect.scatter.add.f32 [tilespmem:s11], [sflag:$0x1], $0x1, s15, s10, $0xb8;
	[tilespmem:$0x2AF8] =	vst v63  }
0x4a: {  	s12 =	simm.s32 $0xA00  }
0x4b: {  	[spmem:s1] =	stream.indirect.scatter.add.f32 [tilespmem:s11], [sflag:$0x1], $0x1, s12, s10, $0xb8;
	[tilespmem:$0x2AF8] =	vst v63  }
0x4c: {  	s14 =	simm.s32 $0xA80  }
0x4d: {  	[spmem:s1] =	stream.indirect.scatter.add.f32 [tilespmem:s11], [sflag:$0x1], $0x1, s14, s10, $0xb8;
	[tilespmem:$0x2AF8] =	vst v63  }
0x4e: {  	s15 =	simm.s32 $0xB00  }
0x4f: {  	[spmem:s1] =	stream.indirect.scatter.add.f32 [tilespmem:s11], [sflag:$0x1], $0x1, s15, s10, $0xb8;
	[tilespmem:$0x2AF8] =	vst v63  }
0x50: {  	s12 =	simm.s32 $0xB80  }
0x51: {  	[spmem:s1] =	stream.indirect.scatter.add.f32 [tilespmem:s11], [sflag:$0x1], $0x1, s12, s10, $0xb8;
	[tilespmem:$0x2AF8] =	vst v63  }
0x52: {  	s14 =	simm.s32 $0xC00  }
0x53: {  	[spmem:s1] =	stream.indirect.scatter.add.f32 [tilespmem:s11], [sflag:$0x1], $0x1, s14, s10, $0xb8;
	[tilespmem:$0x2AF8] =	vst v63  }
0x54: {  	s15 =	simm.s32 $0xC80  }
0x55: {  	[spmem:s1] =	stream.indirect.scatter.add.f32 [tilespmem:s11], [sflag:$0x1], $0x1, s15, s10, $0xb8;
	[tilespmem:$0x2AF8] =	vst v63  }
0x56: {  	_ = 	snop  }
0x57: {  	[spmem:s1] =	stream.indirect.scatter.add.f32 [tilespmem:s11], [sflag:$0x1], $0x1, s16, s10, $0xb8;
	[tilespmem:$0x2AF8] =	vst v63  }
0x58: {  	_ = 	snop  }
0x59: {  	[spmem:s1] =	stream.indirect.scatter.add.f32 [tilespmem:s11], [sflag:$0x1], $0x1, s17, s10, $0xb8;
	[tilespmem:$0x2AF8] =	vst v63  }
0x5a: {  	_ = 	snop  }
0x5b: {  	[spmem:s1] =	stream.indirect.scatter.add.f32 [tilespmem:s11], [sflag:$0x1], $0x1, s18, s10, $0xb8;
	[tilespmem:$0x2AF8] =	vst v63  }
0x5c: {  	_ = 	snop  }
0x5d: {  	[spmem:s1] =	stream.indirect.scatter.add.f32 [tilespmem:s11], [sflag:$0x1], $0x1, s19, s10, $0xb8;
	[tilespmem:$0x2AF8] =	vst v63  }
0x5e: {  	_ = 	snop  }
0x5f: {  	[spmem:s1] =	stream.indirect.scatter.add.f32 [tilespmem:s11], [sflag:$0x1], $0x1, s20, s10, $0xb8;
	[tilespmem:$0x2AF8] =	vst v63  }
0x60: {  	_ = 	snop  }
0x61: {  	[spmem:s1] =	stream.indirect.scatter.add.f32 [tilespmem:s11], [sflag:$0x1], $0x1, s21, s10, $0xb8;
	[tilespmem:$0x2AF8] =	vst v63  }
0x62: {  	_ = 	snop  }
0x63: {  	[spmem:s1] =	stream.indirect.scatter.add.f32 [tilespmem:s11], [sflag:$0x1], $0x1, s22, s10, $0xb8;
	[tilespmem:$0x2AF8] =	vst v63  }
0x64: {  	_ = 	snop  }
0x65: {  	[spmem:s1] =	stream.indirect.scatter.add.f32 [tilespmem:s11], [sflag:$0x1], $0x1, s23, s10, $0xb8;
	[tilespmem:$0x2AF8] =	vst v63  }
0x66: {  	_ = 	snop  }
0x67: {  	[spmem:s1] =	stream.indirect.scatter.add.f32 [tilespmem:s11], [sflag:$0x1], $0x1, s24, s10, $0xb8;
	[tilespmem:$0x2AF8] =	vst v63  }
0x68: {  	_ = 	snop  }
0x69: {  	[spmem:s1] =	stream.indirect.scatter.add.f32 [tilespmem:s11], [sflag:$0x1], $0x1, s25, s10, $0xb8;
	[tilespmem:$0x2AF8] =	vst v63  }
0x6a: {  	_ = 	snop  }
0x6b: {  	[spmem:s1] =	stream.indirect.scatter.add.f32 [tilespmem:s11], [sflag:$0x1], $0x1, s26, s10, $0xb8;
	[tilespmem:$0x2AF8] =	vst v63  }
0x6c: {  	_ = 	snop  }
0x6d: {  	[spmem:s1] =	stream.indirect.scatter.add.f32 [tilespmem:s11], [sflag:$0x1], $0x1, s28, s10, $0xb8;
	[tilespmem:$0x2AF8] =	vst v63  }
0x6e: {  	_ = 	snop  }
0x6f: {  	[spmem:s1] =	stream.indirect.scatter.add.f32 [tilespmem:s11], [sflag:$0x1], $0x1, s29, s10, $0xb8;
	[tilespmem:$0x2AF8] =	vst v63  }
0x70: {  	s4 =	smov.u32 s13;
	s12 =	simm.s32 $0x1400  }
0x71: {  	[spmem:s1] =	stream.indirect.scatter.add.f32 [tilespmem:s11], [sflag:$0x1], $0x1, s30, s10, $0xb8;
	[tilespmem:$0x2AF8] =	vst v63  }
.LBB2_2:
0x72: {  	p1 =	sne.s32 s4, $0x1  }
.Ltmp0:
0x73: {  	_ = 	snop;
	(pc) =	sbr.rel @p1 .LBB2_2-.Ltmp0, $3  }
0x74: {  	_ =	sdelay $0x1  }
0x75: {  	[spmem:s1] =	stream.indirect.scatter.add.f32 [tilespmem:s11], [sflag:$0x1], $0x1, s12, s10, $0xb8;
	[tilespmem:$0x2AF8] =	vst v63  }
0x76: {  	s12 =	sadd.s32 $0x80, s12;
	s4 =	sadd.s32 $0xFFFFFFFF, s4  }
0x77: {  	_ =	swait.ge [sflag:s31], $0x80  }
0x78: {  	s12 =	simm.s32 $0x27;
	[sflag:s31] =	ssyncset.done $0x0  }
.LBB2_4:
0x79: {  	p1 =	sne.s32 s12, $0x1;
	s12 =	sadd.s32 $0xFFFFFFFF, s12;
	[sflag:s31] =	ssyncadd.s32 $0xFFFFFF80  }
.Ltmp1:
0x7a: {  	(pc) =	sbr.rel @p1 .LBB2_4-.Ltmp1, $3  }
0x7b: {  	_ =	sdelay $0x1  }
0x7c: {  	_ =	swait.ge [sflag:s31], $0x80  }
0x7d: {  	[sflag:s31] =	ssyncset.done $0x0  }
0x7e: {  	p1 =	sne.s32 s13, $0x1  }
.Ltmp2:
0x7f: {  	_ = 	snop;
	(pc) =	sbr.rel @!p1 .LBB2_7-.Ltmp2, $4  }
0x80: {  	_ = 	snop  }
0x81: {  	[sflag:s31] =	ssyncadd.s32 $0xFFFFFF80  }
0x82: {  	_ =	swait.ge [sflag:s31], $0x80  }
0x83: {  	s12 =	sadd.s32 $0xFFFFFFFF, s13;
	[sflag:s31] =	ssyncset.done $0x0  }
.LBB2_6:
0x84: {  	p1 =	sne.s32 s12, $0x1;
	s12 =	sadd.s32 $0xFFFFFFFF, s12;
	[sflag:s31] =	ssyncadd.s32 $0xFFFFFF80  }
.Ltmp3:
0x85: {  	(pc) =	sbr.rel @p1 .LBB2_6-.Ltmp3, $3  }
0x86: {  	_ =	sdelay $0x1  }
0x87: {  	_ =	swait.ge [sflag:s31], $0x80  }
0x88: {  	[sflag:s31] =	ssyncset.done $0x0  }
.LBB2_7:
0x89: {  	[sflag:s31] =	ssyncadd.s32 $0xFFFFFF80;
	s4 =	simm.s32 @!p0 $0x1  }
0x8a: {  	s12 =	simm.s32 @!p0 $0x20;
	s14 =	simm.s32 @!p0 $0x10;
	s0 =	sadd.s32 $0x1, s0  }
0x8b: {  	s15 =	simm.s32 @!p0 $0x1C02;
	[bflag:$0x0] =	sbarrier.arrive $0xFFFF;
	p1 =	sne.s32 s0, s6  }
0x8c: {  	[hbm:s5@s12], [sflag:s15] =	dma.strided @!p0 [spmem:s9@s14], $0x4F0, s4, $0x10   }
.Ltmp4:
0x8d: {  	_ = 	snop;
	(pc) =	sbr.rel @p1 .LBB2_1-.Ltmp4, $4  }
0x8e: {  	s4 =	simm.s32 @!p0 $0x2  }
0x8f: {  	_ =	swait.ge @!p0 [sflag:s4], $0x4F0  }
0x90: {  	[sflag:s4] =	ssyncset.done @!p0 $0x0  }
0x91: {  	[sflag:s4] =	ssyncadd.s32 @!p0 $0xFFFFFB10  }
0x92: {  	_ =	sfence.sel $0x180000  }
0x93: {  	[bflag:$0x0] =	sbarrier.arrive $0xFFFF  }
0x94: {  	_ =	strace $0x90000047  }
0x95: {  	[bflag:$0x2] =	sbarrier.arrive $0xFFFF  }
0x96: {  	s0 =	rddreg [dreg:$0x2]  }
0x97: {  	s0 =	sadd.s32 @!p0 $0x100000, s0  }
0x98: {  	[sflag:s0] =	ssyncadd.tile.s32 @!p0 $0x1;
	_ =	shalt  }
.Lfunc_end2:
_tile_overlayer_lowered:
.L_overlay_start_2:
0x99: {  	(tag) =	ssettag $0x2  }
0x9a: {  	s0 =	rddreg [dreg:$0x0];
	s2 =	stileid.u32  }
0x9b: {  	s1 =	rddreg [dreg:$0x1];
	p0 =	sne.s32 s2, $0x0  }
0x9c: {  	s3 =	rddreg [dreg:$0x2];
	[bflag:$0x3] =	sbarrier.arrive $0xFFFF;
	s2 =	simm.s32 @!p0 $0x1C02  }
0x9d: {  	[timem:s3], [sflag:s2] =	dma.local @!p0 [hbm:s0], s1  }
0x9e: {  	s0 =	simm.s32 @!p0 $0x2  }
0x9f: {  	_ =	swait.ge @!p0 [sflag:s0], s1  }
0xa0: {  	s1 =	ssub.s32 @!p0 $0x0, s1;
	[sflag:s0] =	ssyncset.done @!p0 $0x0  }
0xa1: {  	[sflag:s0] =	ssyncadd.s32 @!p0 s1  }
0xa2: {  	[bflag:$0x3] =	sbarrier.arrive $0xFFFF  }
0xa3: {  	_ =	shalt  }

// kernel: kernel.9.cloned.1.call-start
scs
__scs_entry_jumppad:
0x0: {  	(pc) =	sbr.rel $0x88, $3  }
0x1: {  	(tag) =	ssettag $0x0;
	lr =	simm.s32 $0x1  }
0x2: {  	[smem:$0x3F9B] =	sst lr;
	_ =	strace $0xD0000000  }
0x3: {  	_ = 	snop  }
0x4: {  	_ = 	snop  }
0x5: {  	_ = 	snop  }
0x6: {  	_ = 	snop  }
0x7: {  	_ = 	snop  }
__scs_overlays_trampoline_lowered:
0x8: {  	[smem:$0x3FAA] =	sst s0  }
0x9: {  	[smem:$0x3FAB] =	sst s1  }
0xa: {  	[smem:$0x3FAC] =	sst s2  }
0xb: {  	[smem:$0x3FAD] =	sst s3  }
0xc: {  	[smem:$0x3FAE] =	sst s4  }
0xd: {  	[smem:$0x3FAF] =	sst s5  }
0xe: {  	[smem:$0x3FB0] =	sst s6  }
0xf: {  	[smem:$0x3FB1] =	sst s7  }
0x10: {  	[smem:$0x3FB2] =	sst s8  }
0x11: {  	[smem:$0x3FB3] =	sst s9;
	s0 =	simm.s32 @!p0 $0x0  }
0x12: {  	s1 =	sld [smem:$0x3F99];
	s0 =	simm.s32 @p0 $0x1  }
0x13: {  	[smem:$0x3FB4] =	sst s0;
	s0 =	simm.s32 @!p1 $0x0  }
0x14: {  	s2 =	sld [smem:$0x3F98];
	s0 =	simm.s32 @p1 $0x1  }
0x15: {  	[smem:$0x3FB5] =	sst s0;
	s0 =	simm.s32 @!p2 $0x0  }
0x16: {  	s3 =	sld [smem:$0x3FDB];
	s0 =	simm.s32 @p2 $0x1  }
0x17: {  	s4 =	simm.s32 $0x1BF5;
	[smem:$0x3FB7] =	sst s0  }
0x18: {  	s0 =	sld [smem:$0x3F9A];
	_ =	swait.ge [sflag:s4], $0x0  }
0x19: {  	s7 =	sld [smem:$0x3F9B]  }
0x1a: {  	s8 =	sadd.s32 $0xFFFFE003, lr  }
0x1b: {  	s9 =	sadd.s32 $0xFFFFFEF7, lr;
	s5 =	simm.s32 $0xFFFFFFFF;
	p2 =	slt.u32 s8, $0xFFFFF086  }
0x1c: {  	p1 =	slt.u32 s9, $0xF7A;
	s5 =	simm.s32 @!p2 $0x0  }
0x1d: {  	s5 =	simm.s32 @p1 $0x1;
	p0 =	seq.s32 s7, s2  }
0x1e: {  	s7 =	smul.u32 @!p0 $0xF7A, s2;
	p2 =	seq.s32 @!p0 s5, $0x0  }
0x1f: {  	s9 =	smul.u32 $0xF7A, s1;
	s8 =	simm.s32 @!p0 $0x1BF5;
	p2 =	por !p2, p0  }
0x20: {  	[sflag:s8] =	ssyncset.s32 @!p0 $0xFFFFF086;
	s6 =	sadd.s32 @!p0 s3, s7;
	s7 =	simm.s32 @!p0 $0x108  }
0x21: {  	s3 =	sadd.s32 s3, s9;
	s6 =	sadd.s32 @!p0 $0x88, s6;
	s7 =	simm.s32 @p2 $0x1082  }
0x22: {  	[simem:s7], [sflag:s8] =	dma.local @!p0 [hbm:s6], $0xF7A  }
0x23: {  	s9 =	sor.u32 $0xD0000000, s2;
	s6 =	simm.s32 $0x108;
	_ =	swait.ge @!p0 [sflag:s8], $0x0  }
0x24: {  	s3 =	sadd.s32 $0x88, s3;
	s6 =	simm.s32 @!p1 $0x1082;
	[sflag:s4] =	ssyncset.s32 $0xFFFFF086  }
0x25: {  	[simem:s6], [sflag:s4] =	dma.local [hbm:s3], $0xF7A  }
0x26: {  	[smem:$0x3F9B] =	sst s1;
	(tag) =	ssettag s2;
	_ =	strace s9  }
0x27: {  	s1 =	sld [smem:$0x3FAB]  }
0x28: {  	s2 =	sld [smem:$0x3FAC]  }
0x29: {  	s4 =	sld [smem:$0x3FAE]  }
0x2a: {  	p0 =	seq.s32 s5, $0x0;
	s5 =	sld [smem:$0x3FAF]  }
0x2b: {  	s6 =	sld [smem:$0x3FB0]  }
0x2c: {  	s7 =	sld [smem:$0x3FB1]  }
0x2d: {  	s3 =	simm.s32 $0x108;
	s8 =	sld [smem:$0x3FB2]  }
0x2e: {  	s3 =	simm.s32 @!p0 $0x1082;
	s9 =	sld [smem:$0x3FB3]  }
0x2f: {  	lr =	sadd.s32 s0, s3;
	s0 =	sld [smem:$0x3FAA]  }
0x30: {  	s3 =	sld [smem:$0x3FAD]  }
0x31: {  	[smem:$0x3FB6] =	sst s10  }
0x32: {  	s10 =	sld [smem:$0x3FB4];
	_ =	sdelay $0x3  }
0x33: {  	p0 =	seq.s32 s10, $0x1;
	s10 =	sld [smem:$0x3FB6];
	_ =	sdelay $0x3  }
0x34: {  	[smem:$0x3FB6] =	sst s10  }
0x35: {  	s10 =	sld [smem:$0x3FB5];
	_ =	sdelay $0x3  }
0x36: {  	p1 =	seq.s32 s10, $0x1;
	s10 =	sld [smem:$0x3FB6];
	_ =	sdelay $0x3  }
0x37: {  	[smem:$0x3FB6] =	sst s10  }
0x38: {  	s10 =	sld [smem:$0x3FB7]  }
0x39: {  	_ = 	snop;
	(pc) =	sbr.ind lr, $3  }
0x3a: {  	_ = 	snop  }
0x3b: {  	_ = 	snop  }
0x3c: {  	p2 =	seq.s32 s10, $0x1;
	s10 =	sld [smem:$0x3FB6]  }
0x3d: {  	_ =	shalt  }
0x3e: {  	_ =	shalt  }
0x3f: {  	_ =	shalt  }
0x40: {  	_ =	shalt  }
0x41: {  	_ =	shalt  }
0x42: {  	_ =	shalt  }
0x43: {  	_ =	shalt  }
0x44: {  	_ =	shalt  }
0x45: {  	_ =	shalt  }
0x46: {  	_ =	shalt  }
0x47: {  	_ =	shalt  }
0x48: {  	_ =	shalt  }
0x49: {  	_ =	shalt  }
0x4a: {  	_ =	shalt  }
0x4b: {  	_ =	shalt  }
0x4c: {  	_ =	shalt  }
0x4d: {  	_ =	shalt  }
0x4e: {  	_ =	shalt  }
0x4f: {  	_ =	shalt  }
0x50: {  	_ =	shalt  }
0x51: {  	_ =	shalt  }
0x52: {  	_ =	shalt  }
0x53: {  	_ =	shalt  }
0x54: {  	_ =	shalt  }
0x55: {  	_ =	shalt  }
0x56: {  	_ =	shalt  }
0x57: {  	_ =	shalt  }
0x58: {  	_ =	shalt  }
0x59: {  	_ =	shalt  }
0x5a: {  	_ =	shalt  }
0x5b: {  	_ =	shalt  }
0x5c: {  	_ =	shalt  }
0x5d: {  	_ =	shalt  }
0x5e: {  	_ =	shalt  }
0x5f: {  	_ =	shalt  }
0x60: {  	_ =	shalt  }
0x61: {  	_ =	shalt  }
0x62: {  	_ =	shalt  }
0x63: {  	_ =	shalt  }
0x64: {  	_ =	shalt  }
0x65: {  	_ =	shalt  }
0x66: {  	_ =	shalt  }
0x67: {  	_ =	shalt  }
0x68: {  	_ =	shalt  }
0x69: {  	_ =	shalt  }
0x6a: {  	_ =	shalt  }
0x6b: {  	_ =	shalt  }
0x6c: {  	_ =	shalt  }
0x6d: {  	_ =	shalt  }
0x6e: {  	_ =	shalt  }
0x6f: {  	_ =	shalt  }
0x70: {  	_ =	shalt  }
0x71: {  	_ =	shalt  }
0x72: {  	_ =	shalt  }
0x73: {  	_ =	shalt  }
0x74: {  	_ =	shalt  }
0x75: {  	_ =	shalt  }
0x76: {  	_ =	shalt  }
0x77: {  	_ =	shalt  }
0x78: {  	_ =	shalt  }
0x79: {  	_ =	shalt  }
0x7a: {  	_ =	shalt  }
0x7b: {  	_ =	shalt  }
0x7c: {  	_ =	shalt  }
0x7d: {  	_ =	shalt  }
0x7e: {  	_ =	shalt  }
0x7f: {  	_ =	shalt  }
0x80: {  	_ =	shalt  }
0x81: {  	_ =	shalt  }
0x82: {  	_ =	shalt  }
0x83: {  	_ =	shalt  }
0x84: {  	_ =	shalt  }
0x85: {  	_ =	shalt  }
0x86: {  	_ =	shalt  }
0x87: {  	_ =	shalt  }
.Lfunc_end0:
.L_simem_size_0:
called_computation.1_lowered:
.L_overlay_start_0:
0x88: {  	s2 =	sld [smem:$0x3FD9]  }
0x89: {  	s3 =	sld [smem:$0x3FFE];
	_ =	sdelay $0x1  }
0x8a: {  	s1 =	srdreg.scid  }
0x8b: {  	s0 =	sand.u32 $0x1, s1  }
0x8c: {  	s16 =	sshll.u32 s0, $0xA;
	s2 =	sadd.s32 s3, s2  }
0x8d: {  	s2 =	sadd.s32 s2, s16  }
0x8e: {  	[smem:$0x3FC2] =	sst s2  }
0x8f: {  	_ = 	snop  }
0x90: {  	(tm) =	ssettm $0x1  }
0x91: {  	s17 =	sld [smem:$0x3FFB];
	_ =	sdelay $0x3  }
0x92: {  	_ =	strace s17  }
0x93: {  	s2 =	sld [smem:$0x3FFC];
	_ =	sdelay $0x3  }
0x94: {  	_ =	strace s2  }
0x95: {  	s2 =	sld [smem:$0x3FFD];
	_ =	sdelay $0x3  }
0x96: {  	_ =	strace s2  }
0x97: {  	_ =	strace $0x8FFFFFFF  }
0x98: {  	s18 =	sld [smem:$0x3FDB];
	_ =	sdelay $0x1  }
0x99: {  	s19 =	simm.s32 $_scs_section_size  }
0x9a: {  	s4 =	simm.s32 $_size__tile_overlayer_lowered;
	s5 =	simm.s32 $_tile_overlayer_lowered  }
0x9b: {  	s22 =	simm.s32 $0x1BFF;
	s21 =	sshll.u32 s5, $0x1;
	s2 =	sadd.s32 s19, s18  }
0x9c: {  	s6 =	simm.s32 $0x0;
	s20 =	sshll.u32 s4, $0x1;
	s4 =	sadd.s32 s21, s2  }
0x9d: {  	[timem:s6], [sflag:s22] =	dma.local [hbm:s4], s20  }
0x9e: {  	_ =	swait.ge [sflag:s22], s20  }
0x9f: {  	s3 =	ssub.s32 $0x0, s20;
	[sflag:s22] =	ssyncset.done $0x0  }
0xa0: {  	[sflag:s22] =	ssyncadd.s32 s3;
	_ =	sdelay $0x1  }
0xa1: {  	s23 =	simm.s32 $0x1B8B  }
0xa2: {  	_ =	swait.ge [sflag:s23], $0x1  }
0xa3: {  	[sflag:s23] =	ssyncset.done $0x0  }
0xa4: {  	s25 =	simm.s32 $0x1B8E;
	s24 =	sld [smem:$0x3FFE];
	[sflag:s23] =	ssyncadd.s32 $0xFFFFFFFF  }
0xa5: {  	s26 =	simm.s32 $execute0_lowered;
	[smem:$0x3FD2] =	sst s25  }
0xa6: {  	s4 =	sshll.u32 s26, $0x1;
	_ =	strace $0x80000049;
	[dreg:$0x1] =	wrdreg $0xFFFFFFFF  }
0xa7: {  	s28 =	simm.s32 $_size_execute0_lowered;
	s2 =	sadd.s32 s2, s4;
	[dreg:$0x0] =	wrdreg $0x0  }
0xa8: {  	s4 =	sshll.u32 s28, $0x1;
	[dreg:$0x2] =	wrdreg s2  }
0xa9: {  	[dreg:$0x3] =	wrdreg s4  }
0xaa: {  	[dreg:$0x4] =	wrdreg $0xC0  }
0xab: {  	_ =	task [dreg:s6], $0x5FFFF  }
0xac: {  	[dreg:$0x1] =	wrdreg $0xFFFFFFFF  }
0xad: {  	[dreg:$0x0] =	wrdreg $0x60  }
0xae: {  	[dreg:$0x2] =	wrdreg s24  }
0xaf: {  	[dreg:$0x3] =	wrdreg $0xA8000  }
0xb0: {  	[dreg:$0x4] =	wrdreg $0x9  }
0xb1: {  	_ =	task.clear_ibuf [dreg:s6], $0x5FFFF;
	_ =	strace $0x90000049  }
0xb2: {  	s29 =	simm.s32 $0x9;
	_ =	strace $0x8000004B  }
0xb3: {  	_ =	swait.ge [sflag:s29], $0x1  }
0xb4: {  	[sflag:s29] =	ssyncadd.s32 $0xFFFFFFFF  }
0xb5: {  	_ =	strace $0x9000004B  }
0xb6: {  	_ =	sfence  }
0xb7: {  	s30 =	sld [smem:$0x0];
	_ =	sdelay $0x2  }
0xb8: {  	s31 =	sshll.u32 s1, $0xD;
	s1 =	sshrl.u32 s1, $0x2  }
0xb9: {  	s3 =	sand.u32 $0x4000, s31;
	s1 =	sadd.s32 s1, s30  }
0xba: {  	s0 =	sor.u32 s3, s0;
	s1 =	sshll.u32 s1, $0x11  }
0xbb: {  	s0 =	sor.u32 s1, s0  }
0xbc: {  	s0 =	sadd.s32 $0x8F2B, s0  }
0xbd: {  	[sflag:s0] =	ssyncadd.remote.s32 $0x1  }
0xbe: {  	_ =	sfence.sel $0xFFFF  }
0xbf: {  	[dreg:$0x0] =	wrdreg $0xFFFFFFFF;
	(pc) =	sbr.abs _section_cstart, $3  }
0xc0: {  	[dreg:$0x1] =	wrdreg $0xFFFFFFFF  }
0xc1: {  	_ =	task.clear_ibuf [dreg:s6], $0x2FFFF;
	_ =	strace $0x9FFFFFFF  }
0xc2: {  	(tm) =	ssettm $0x7FFFFFFF  }
0xc3: {  	_ =	shalt  }
tec
execute0_lowered:
.L_overlay_start_1:
0x0: {  	(tag) =	ssettag $0x1  }
0x1: {  	s5 =	rddreg [dreg:$0x0]  }
0x2: {  	s1 =	rddreg [dreg:$0x1];
	s3 =	simm.s32 $0x0;
	s6 =	srdreg.scid  }
0x3: {  	s0 =	stileid.u32;
	s20 =	simm.s32 $0x80;
	s21 =	simm.s32 $0x6800  }
0x4: {  	s22 =	simm.s32 $0x1;
	s23 =	simm.s32 $0x2;
	s24 =	simm.s32 $0x1380  }
0x5: {  	s28 =	simm.s32 $0x2780;
	[smem:$0x7FF] =	sst s3;
	s4 =	sadd.s32 $0xAE00, s5  }
0x6: {  	s10 =	sand.u32 $0x1, s6;
	s30 =	smul.u32 $0x4E000, s0;
	s12 =	sadd.s32 $0xE00, s5  }
0x7: {  	s13 =	sadd.s32 $0x5E00, s5;
	s15 =	sadd.s32 $0x59000, s5;
	s9 =	smul.u32 $0x2800, s0  }
0x8: {  	s18 =	smul.u32 $0x13800, s0;
	s26 =	sadd.s32 $0x124800, s1;
	p0 =	seq.s32 s0, $0xF  }
0x9: {  	_ =	strace $0x8000004A;
	s7 =	ssub.s32 $0x2, s10;
	s14 =	smul.u32 $0x138800, s10  }
0xa: {  	s25 =	smul.u32 $0x2710, s10;
	s31 =	sshrl.u32 s7, $0x1;
	s6 =	sshrl.u32 s30, $0x2  }
0xb: {  	s17 =	sshrl.u32 s9, $0x3;
	s16 =	ssub.s32 s7, s31;
	s5 =	sadd.s32 s6, s1  }
0xc: {  	s10 =	sadd.s32 s12, s17;
	s11 =	sadd.s32 s13, s17;
	s17 =	sadd.s32 $0x280, s17  }
0xd: {  	s18 =	sadd.s32 s18, s14;
	s19 =	sshrl.u32 s14, $0x3;
	v0 =	vmov s25;
	s25 =	sshrl.u32 @p0 s26, $0x3  }
0xe: {  	s26 =	simm.s32 $0x2700;
	s6 =	sadd.s32 $0x4000, s5;
	s7 =	sadd.s32 $0x8000, s5  }
0xf: {  	s8 =	sadd.s32 $0xC000, s5;
	s9 =	sadd.s32 $0x10000, s5;
	s12 =	sadd.s32 s12, s17  }
0x10: {  	s18 =	sshrl.u32 s18, $0x3;
	s13 =	sadd.s32 s13, s17;
	s16 =	smax.u32 s16, $0x1  }
0x11: {  	s17 =	simm.s32 $0x2800;
	s14 =	sadd.s32 s15, s18;
	s15 =	sadd.s32 s15, s19  }
0x12: {  	v1 =	vimm.f32 $0.0e+00;
	s18 =	simm.s32 $0x3;
	s19 =	simm.s32 $0x1400;
	s15 =	sadd.s32 $0x24900, s15  }
.LBB2_1:
0x13: {  	s29 =	simm.s32 $0x0;
	s30 =	simm.s32 $0x200  }
.LBB2_2:
0x14: {  	p1 =	sne.s32 s30, $0xFE00;
	[tilespmem:s29+$0x2870] =	vst v1  }
0x15: {  	[tilespmem:s29+$0x2800] =	vst v1  }
0x16: {  	[tilespmem:s29+$0x2810] =	vst v1  }
.Ltmp0:
0x17: {  	[tilespmem:s29+$0x2820] =	vst v1;
	(pc) =	sbr.rel @p1 .LBB2_2-.Ltmp0, $4  }
0x18: {  	[tilespmem:s29+$0x2830] =	vst v1  }
0x19: {  	[tilespmem:s29+$0x2840] =	vst v1  }
0x1a: {  	[tilespmem:s29+$0x2850] =	vst v1  }
0x1b: {  	[tilespmem:s29+$0x2860] =	vst v1;
	s29 =	sshra.s32 s30, $0x2;
	s30 =	sadd.s32 $0x200, s30  }
0x1c: {  	[tilespmem:s29+$0x2870] =	vst v1  }
0x1d: {  	[tilespmem:s29+$0x2800] =	vst v1  }
0x1e: {  	[tilespmem:s29+$0x2810] =	vst v1  }
0x1f: {  	[tilespmem:s29+$0x2820] =	vst v1  }
0x20: {  	[tilespmem:s29+$0x2830] =	vst v1  }
0x21: {  	[tilespmem:s29+$0x2840] =	vst v1  }
0x22: {  	[tilespmem:s29+$0x2850] =	vst v1  }
0x23: {  	[tilespmem:s29+$0x2860] =	vst v1  }
0x24: {  	[spmem:s5] =	stream.linear.scatter [tilespmem:s17], [sflag:$0x3], $0x4000, $0x38;
	[tilespmem:$0x1E0C0] =	vst v63  }
0x25: {  	_ =	swait.ge [sflag:s18], $0x4000  }
0x26: {  	[sflag:s18] =	ssyncset.done $0x0  }
0x27: {  	[sflag:s18] =	ssyncadd.s32 $0xFFFFC000  }
0x28: {  	[spmem:s6] =	stream.linear.scatter [tilespmem:s17], [sflag:$0x3], $0x4000, $0x38;
	[tilespmem:$0x1E0C0] =	vst v63  }
0x29: {  	_ =	swait.ge [sflag:s18], $0x4000  }
0x2a: {  	[sflag:s18] =	ssyncset.done $0x0  }
0x2b: {  	[sflag:s18] =	ssyncadd.s32 $0xFFFFC000  }
0x2c: {  	[spmem:s7] =	stream.linear.scatter [tilespmem:s17], [sflag:$0x3], $0x4000, $0x38;
	[tilespmem:$0x1E0C0] =	vst v63  }
0x2d: {  	_ =	swait.ge [sflag:s18], $0x4000  }
0x2e: {  	[sflag:s18] =	ssyncset.done $0x0  }
0x2f: {  	[sflag:s18] =	ssyncadd.s32 $0xFFFFC000  }
0x30: {  	[spmem:s8] =	stream.linear.scatter [tilespmem:s17], [sflag:$0x3], $0x4000, $0x38;
	[tilespmem:$0x1E0C0] =	vst v63  }
0x31: {  	_ =	swait.ge [sflag:s18], $0x4000  }
0x32: {  	[sflag:s18] =	ssyncset.done $0x0  }
0x33: {  	[sflag:s18] =	ssyncadd.s32 $0xFFFFC000  }
0x34: {  	[spmem:s9] =	stream.linear.scatter [tilespmem:s17], [sflag:$0x3], $0x4000, $0x38;
	[tilespmem:$0x1E0C0] =	vst v63  }
0x35: {  	_ =	swait.ge [sflag:s18], $0x4000  }
0x36: {  	[sflag:s18] =	ssyncset.done $0x0  }
0x37: {  	[sflag:s18] =	ssyncadd.s32 $0xFFFFC000  }
0x38: {  	s29 =	simm.s32 $0x0;
	[bflag:$0x0] =	sbarrier.arrive $0xFFFF  }
0x39: {  	[tilespmem:s29], [sflag:$0x3] =	stream.linear.gather [hbm4b:s10+s29], $0x1400, $0x38;
	[tilespmem:$0x1E0C0] =	vst v63  }
0x3a: {  	_ =	swait.ge [sflag:s18], $0x1400  }
0x3b: {  	[sflag:s18] =	ssyncset.done $0x0  }
0x3c: {  	[sflag:s18] =	ssyncadd.s32 $0xFFFFEC00  }
0x3d: {  	[tilespmem:s19], [sflag:$0x3] =	stream.linear.gather [hbm4b:s11+s29], $0x1400, $0x38;
	[tilespmem:$0x1E0C0] =	vst v63  }
0x3e: {  	_ =	swait.ge [sflag:s18], $0x1400  }
0x3f: {  	[sflag:s18] =	ssyncset.done $0x0  }
0x40: {  	s29 =	simm.s32 $0x0;
	[sflag:s18] =	ssyncadd.s32 $0xFFFFEC00  }
0x41: {  	v4 =	vld [tilespmem:s29+$0x0]  }
0x42: {  	v6 =	vld [tilespmem:s29+$0x10]  }
0x43: {  	v5 =	vld [tilespmem:s29+$0x20]  }
0x44: {  	v3 =	vld [tilespmem:s29+$0x30]  }
0x45: {  	v2 =	vld [tilespmem:s29+$0x40]  }
0x46: {  	v7 =	vadd.s32 v0, v4;
	v4 =	vld [tilespmem:s29+$0x50]  }
0x47: {  	s30 =	simm.s32 $0x200;
	[tilespmem:s29+$0x0] =	vst v7;
	v7 =	vadd.s32 v0, v6;
	v6 =	vld [tilespmem:s29+$0x60]  }
.LBB2_4:
0x48: {  	s31 =	sshra.s32 s30, $0x2;
	p1 =	sne.s32 s30, $0x4E00;
	[tilespmem:s29+$0x10] =	vst v7;
	v5 =	vadd.s32 v0, v5;
	v7 =	vld [tilespmem:s29+$0x70]  }
0x49: {  	v8 =	vld [tilespmem:s31+$0x0];
	[tilespmem:s29+$0x20] =	vst v5;
	v3 =	vadd.s32 v0, v3  }
0x4a: {  	v9 =	vld [tilespmem:s31+$0x10];
	[tilespmem:s29+$0x30] =	vst v3;
	v2 =	vadd.s32 v0, v2  }
.Ltmp1:
0x4b: {  	v5 =	vld [tilespmem:s31+$0x20];
	[tilespmem:s29+$0x40] =	vst v2;
	v2 =	vadd.s32 v0, v4;
	(pc) =	sbr.rel @p1 .LBB2_4-.Ltmp1, $4  }
0x4c: {  	v3 =	vld [tilespmem:s31+$0x30];
	[tilespmem:s29+$0x50] =	vst v2;
	v4 =	vadd.s32 v0, v6  }
0x4d: {  	v2 =	vld [tilespmem:s31+$0x40];
	[tilespmem:s29+$0x60] =	vst v4;
	v6 =	vadd.s32 v0, v7  }
0x4e: {  	v7 =	vadd.s32 v0, v8;
	v4 =	vld [tilespmem:s31+$0x50];
	[tilespmem:s29+$0x70] =	vst v6;
	s29 =	smov.u32 s31  }
0x4f: {  	s30 =	sadd.s32 $0x200, s30;
	[tilespmem:s29+$0x0] =	vst v7;
	v7 =	vadd.s32 v0, v9;
	v6 =	vld [tilespmem:s29+$0x60]  }
0x50: {  	[tilespmem:s29+$0x10] =	vst v7;
	v5 =	vadd.s32 v0, v5;
	v63 =	vld [tilespmem:s29+$0x70]  }
0x51: {  	[tilespmem:s29+$0x20] =	vst v5;
	v3 =	vadd.s32 v0, v3  }
0x52: {  	[tilespmem:s29+$0x30] =	vst v3;
	v2 =	vadd.s32 v0, v2  }
0x53: {  	[tilespmem:s29+$0x40] =	vst v2;
	v2 =	vadd.s32 v0, v4  }
0x54: {  	[tilespmem:s29+$0x50] =	vst v2;
	v2 =	vadd.s32 v0, v6  }
0x55: {  	[tilespmem:s29+$0x60] =	vst v2;
	v2 =	vadd.s32 v0, v63  }
0x56: {  	[tilespmem:s29+$0x70] =	vst v2;
	s29 =	simm.s32 $0x0  }
0x57: {  	[tilespmem:s17], [sflag:$0x1] =	stream.indirect.gather [hbm4b:s4+s20], $0x80, s29, s20, $0xb8;
	[tilespmem:$0x1E0C0] =	vst v63  }
0x58: {  	s29 =	simm.s32 $0x80  }
0x59: {  	[tilespmem:s21], [sflag:$0x2] =	stream.indirect.gather [hbm4b:s4+s20], $0x80, s29, s20, $0xb8;
	[tilespmem:$0x1E0C0] =	vst v63  }
0x5a: {  	_ =	swait.ge [sflag:s22], $0x4000  }
0x5b: {  	[sflag:s22] =	ssyncset.done $0x0  }
0x5c: {  	s29 =	simm.s32 $0x1400;
	[sflag:s22] =	ssyncadd.s32 $0xFFFFC000  }
0x5d: {  	[spmem:s1] =	stream.indirect.scatter.add.f32 [tilespmem:s17], [sflag:$0x3], $0x80, s29, s20, $0xb8;
	[tilespmem:$0x1E0C0] =	vst v63  }
0x5e: {  	_ =	swait.ge [sflag:s18], $0x4000  }
0x5f: {  	[sflag:s18] =	ssyncset.done $0x0  }
0x60: {  	s29 =	simm.s32 $0x100;
	[sflag:s18] =	ssyncadd.s32 $0xFFFFC000  }
0x61: {  	[tilespmem:s17], [sflag:$0x1] =	stream.indirect.gather [hbm4b:s4+s20], $0x80, s29, s20, $0xb8;
	[tilespmem:$0x1E0C0] =	vst v63  }
0x62: {  	_ =	swait.ge [sflag:s23], $0x4000  }
0x63: {  	[sflag:s23] =	ssyncset.done $0x0  }
0x64: {  	s29 =	simm.s32 $0x1480;
	[sflag:s23] =	ssyncadd.s32 $0xFFFFC000  }
0x65: {  	[spmem:s1] =	stream.indirect.scatter.add.f32 [tilespmem:s21], [sflag:$0x3], $0x80, s29, s20, $0xb8;
	[tilespmem:$0x1E0C0] =	vst v63  }
0x66: {  	_ =	swait.ge [sflag:s18], $0x4000  }
0x67: {  	s30 =	simm.s32 $0x800;
	s29 =	simm.s32 $0x100;
	[sflag:s18] =	ssyncset.done $0x0  }
.LBB2_6:
0x68: {  	s31 =	sadd.s32 $0x80, s29  }
0x69: {  	[sflag:s18] =	ssyncadd.s32 $0xFFFFC000;
	s0 =	smov.u32 s30;
	s2 =	sadd.s32 $0x400, s30  }
0x6a: {  	[tilespmem:s21], [sflag:$0x2] =	stream.indirect.gather [hbm4b:s4+s20], $0x80, s31, s20, $0xb8;
	[tilespmem:$0x1E0C0] =	vst v63  }
0x6b: {  	p1 =	sne.s32 s30, $0x4800;
	_ =	swait.ge [sflag:s22], $0x4000  }
0x6c: {  	[sflag:s22] =	ssyncset.done $0x0  }
0x6d: {  	s30 =	sadd.s32 $0x1400, s29;
	[sflag:s22] =	ssyncadd.s32 $0xFFFFC000  }
0x6e: {  	[spmem:s1] =	stream.indirect.scatter.add.f32 [tilespmem:s17], [sflag:$0x3], $0x80, s30, s20, $0xb8;
	[tilespmem:$0x1E0C0] =	vst v63  }
0x6f: {  	_ =	swait.ge [sflag:s18], $0x4000  }
0x70: {  	[sflag:s18] =	ssyncset.done $0x0  }
0x71: {  	s30 =	sadd.s32 $0x100, s29;
	[sflag:s18] =	ssyncadd.s32 $0xFFFFC000  }
0x72: {  	[tilespmem:s17], [sflag:$0x1] =	stream.indirect.gather [hbm4b:s4+s20], $0x80, s30, s20, $0xb8;
	[tilespmem:$0x1E0C0] =	vst v63  }
0x73: {  	_ =	swait.ge [sflag:s23], $0x4000  }
.Ltmp2:
0x74: {  	[sflag:s23] =	ssyncset.done $0x0;
	(pc) =	sbr.rel @p1 .LBB2_6-.Ltmp2, $4  }
0x75: {  	s29 =	sadd.s32 $0x1480, s29;
	[sflag:s23] =	ssyncadd.s32 $0xFFFFC000  }
0x76: {  	[spmem:s1] =	stream.indirect.scatter.add.f32 [tilespmem:s21], [sflag:$0x3], $0x80, s29, s20, $0xb8;
	[tilespmem:$0x1E0C0] =	vst v63  }
0x77: {  	_ =	swait.ge [sflag:s18], $0x4000  }
0x78: {  	s30 =	smov.u32 s2;
	s29 =	sshra.s32 s0, $0x2;
	[sflag:s18] =	ssyncset.done $0x0  }
0x79: {  	s0 =	sadd.s32 $0x80, s29;
	[sflag:s18] =	ssyncadd.s32 $0xFFFFC000  }
0x7a: {  	[tilespmem:s21], [sflag:$0x2] =	stream.indirect.gather [hbm4b:s4+s20], $0x80, s0, s20, $0xb8;
	[tilespmem:$0x1E0C0] =	vst v63  }
0x7b: {  	_ =	swait.ge [sflag:s22], $0x4000  }
0x7c: {  	[sflag:s22] =	ssyncset.done $0x0  }
0x7d: {  	s2 =	sadd.s32 $0x1400, s29;
	[sflag:s22] =	ssyncadd.s32 $0xFFFFC000  }
0x7e: {  	[spmem:s1] =	stream.indirect.scatter.add.f32 [tilespmem:s17], [sflag:$0x3], $0x80, s2, s20, $0xb8;
	[tilespmem:$0x1E0C0] =	vst v63  }
0x7f: {  	_ =	swait.ge [sflag:s18], $0x4000  }
0x80: {  	[sflag:s18] =	ssyncset.done $0x0  }
0x81: {  	s31 =	sadd.s32 $0x100, s29;
	[sflag:s18] =	ssyncadd.s32 $0xFFFFC000  }
0x82: {  	[tilespmem:s17], [sflag:$0x1] =	stream.indirect.gather [hbm4b:s4+s20], $0x80, s31, s20, $0xb8;
	[tilespmem:$0x1E0C0] =	vst v63  }
0x83: {  	_ =	swait.ge [sflag:s23], $0x4000  }
0x84: {  	[sflag:s23] =	ssyncset.done $0x0  }
0x85: {  	s2 =	sadd.s32 $0x1480, s29;
	[sflag:s23] =	ssyncadd.s32 $0xFFFFC000  }
0x86: {  	[spmem:s1] =	stream.indirect.scatter.add.f32 [tilespmem:s21], [sflag:$0x3], $0x80, s2, s20, $0xb8;
	[tilespmem:$0x1E0C0] =	vst v63  }
0x87: {  	_ =	swait.ge [sflag:s18], $0x4000  }
0x88: {  	[sflag:s18] =	ssyncset.done $0x0  }
0x89: {  	[sflag:s18] =	ssyncadd.s32 $0xFFFFC000  }
0x8a: {  	[tilespmem:s21], [sflag:$0x2] =	stream.indirect.gather [hbm4b:s4+s20], $0x80, s24, s20, $0xb8;
	[tilespmem:$0x1E0C0] =	vst v63  }
0x8b: {  	_ =	swait.ge [sflag:s22], $0x4000  }
0x8c: {  	[sflag:s22] =	ssyncset.done $0x0  }
0x8d: {  	[sflag:s22] =	ssyncadd.s32 $0xFFFFC000  }
0x8e: {  	[spmem:s1] =	stream.indirect.scatter.add.f32 [tilespmem:s17], [sflag:$0x3], $0x80, s26, s20, $0xb8;
	[tilespmem:$0x1E0C0] =	vst v63  }
0x8f: {  	_ =	swait.ge [sflag:s18], $0x4000  }
0x90: {  	[sflag:s18] =	ssyncset.done $0x0  }
0x91: {  	[sflag:s18] =	ssyncadd.s32 $0xFFFFC000  }
0x92: {  	_ =	swait.ge [sflag:s23], $0x4000  }
0x93: {  	[sflag:s23] =	ssyncset.done $0x0  }
0x94: {  	[sflag:s23] =	ssyncadd.s32 $0xFFFFC000  }
0x95: {  	[spmem:s1] =	stream.indirect.scatter.add.f32 [tilespmem:s21], [sflag:$0x3], $0x80, s28, s20, $0xb8;
	[tilespmem:$0x1E0C0] =	vst v63  }
0x96: {  	_ =	swait.ge [sflag:s18], $0x4000  }
0x97: {  	[sflag:s18] =	ssyncset.done $0x0  }
0x98: {  	s31 =	simm.s32 $0x0;
	[sflag:s18] =	ssyncadd.s32 $0xFFFFC000  }
0x99: {  	[tilespmem:s31], [sflag:$0x3] =	stream.linear.gather [hbm4b:s12+s31], $0x1400, $0x38;
	[tilespmem:$0x1E0C0] =	vst v63  }
0x9a: {  	_ =	swait.ge [sflag:s18], $0x1400  }
0x9b: {  	[sflag:s18] =	ssyncset.done $0x0  }
0x9c: {  	[sflag:s18] =	ssyncadd.s32 $0xFFFFEC00  }
0x9d: {  	[tilespmem:s19], [sflag:$0x3] =	stream.linear.gather [hbm4b:s13+s31], $0x1400, $0x38;
	[tilespmem:$0x1E0C0] =	vst v63  }
0x9e: {  	_ =	swait.ge [sflag:s18], $0x1400  }
0x9f: {  	[sflag:s18] =	ssyncset.done $0x0  }
0xa0: {  	s29 =	simm.s32 $0x0;
	[sflag:s18] =	ssyncadd.s32 $0xFFFFEC00  }
0xa1: {  	v4 =	vld [tilespmem:s29+$0x0]  }
0xa2: {  	v6 =	vld [tilespmem:s29+$0x10]  }
0xa3: {  	v5 =	vld [tilespmem:s29+$0x20]  }
0xa4: {  	v3 =	vld [tilespmem:s29+$0x30]  }
0xa5: {  	v2 =	vld [tilespmem:s29+$0x40]  }
0xa6: {  	v7 =	vadd.s32 v0, v4;
	v4 =	vld [tilespmem:s29+$0x50]  }
0xa7: {  	s30 =	simm.s32 $0x200;
	[tilespmem:s29+$0x0] =	vst v7;
	v7 =	vadd.s32 v0, v6;
	v6 =	vld [tilespmem:s29+$0x60]  }
.LBB2_8:
0xa8: {  	s0 =	sshra.s32 s30, $0x2;
	p1 =	sne.s32 s30, $0x4E00;
	[tilespmem:s29+$0x10] =	vst v7;
	v5 =	vadd.s32 v0, v5;
	v7 =	vld [tilespmem:s29+$0x70]  }
0xa9: {  	v8 =	vld [tilespmem:s0+$0x0];
	[tilespmem:s29+$0x20] =	vst v5;
	v3 =	vadd.s32 v0, v3  }
0xaa: {  	v9 =	vld [tilespmem:s0+$0x10];
	[tilespmem:s29+$0x30] =	vst v3;
	v2 =	vadd.s32 v0, v2  }
.Ltmp3:
0xab: {  	v5 =	vld [tilespmem:s0+$0x20];
	[tilespmem:s29+$0x40] =	vst v2;
	v2 =	vadd.s32 v0, v4;
	(pc) =	sbr.rel @p1 .LBB2_8-.Ltmp3, $4  }
0xac: {  	v3 =	vld [tilespmem:s0+$0x30];
	[tilespmem:s29+$0x50] =	vst v2;
	v4 =	vadd.s32 v0, v6  }
0xad: {  	v2 =	vld [tilespmem:s0+$0x40];
	[tilespmem:s29+$0x60] =	vst v4;
	v6 =	vadd.s32 v0, v7  }
0xae: {  	v7 =	vadd.s32 v0, v8;
	v4 =	vld [tilespmem:s0+$0x50];
	[tilespmem:s29+$0x70] =	vst v6;
	s29 =	smov.u32 s0  }
0xaf: {  	s30 =	sadd.s32 $0x200, s30;
	[tilespmem:s29+$0x0] =	vst v7;
	v7 =	vadd.s32 v0, v9;
	v6 =	vld [tilespmem:s29+$0x60]  }
0xb0: {  	[tilespmem:s29+$0x10] =	vst v7;
	v5 =	vadd.s32 v0, v5;
	v63 =	vld [tilespmem:s29+$0x70]  }
0xb1: {  	[tilespmem:s29+$0x20] =	vst v5;
	v3 =	vadd.s32 v0, v3  }
0xb2: {  	[tilespmem:s29+$0x30] =	vst v3;
	v2 =	vadd.s32 v0, v2  }
0xb3: {  	[tilespmem:s29+$0x40] =	vst v2;
	v2 =	vadd.s32 v0, v4  }
0xb4: {  	[tilespmem:s29+$0x50] =	vst v2;
	v2 =	vadd.s32 v0, v6  }
0xb5: {  	[tilespmem:s29+$0x60] =	vst v2;
	v2 =	vadd.s32 v0, v63  }
0xb6: {  	s0 =	simm.s32 $0x0;
	[tilespmem:s29+$0x70] =	vst v2  }
0xb7: {  	[tilespmem:s17], [sflag:$0x1] =	stream.indirect.gather [hbm4b:s4+s20], $0x80, s0, s20, $0xb8;
	[tilespmem:$0x1E0C0] =	vst v63  }
0xb8: {  	s2 =	simm.s32 $0x80  }
0xb9: {  	[tilespmem:s21], [sflag:$0x2] =	stream.indirect.gather [hbm4b:s4+s20], $0x80, s2, s20, $0xb8;
	[tilespmem:$0x1E0C0] =	vst v63  }
0xba: {  	_ =	swait.ge [sflag:s22], $0x4000  }
0xbb: {  	[sflag:s22] =	ssyncset.done $0x0  }
0xbc: {  	s31 =	simm.s32 $0x1400;
	[sflag:s22] =	ssyncadd.s32 $0xFFFFC000  }
0xbd: {  	[spmem:s1] =	stream.indirect.scatter.add.f32 [tilespmem:s17], [sflag:$0x3], $0x80, s31, s20, $0xb8;
	[tilespmem:$0x1E0C0] =	vst v63  }
0xbe: {  	_ =	swait.ge [sflag:s18], $0x4000  }
0xbf: {  	[sflag:s18] =	ssyncset.done $0x0  }
0xc0: {  	s2 =	simm.s32 $0x100;
	[sflag:s18] =	ssyncadd.s32 $0xFFFFC000  }
0xc1: {  	[tilespmem:s17], [sflag:$0x1] =	stream.indirect.gather [hbm4b:s4+s20], $0x80, s2, s20, $0xb8;
	[tilespmem:$0x1E0C0] =	vst v63  }
0xc2: {  	_ =	swait.ge [sflag:s23], $0x4000  }
0xc3: {  	[sflag:s23] =	ssyncset.done $0x0  }
0xc4: {  	s31 =	simm.s32 $0x1480;
	[sflag:s23] =	ssyncadd.s32 $0xFFFFC000  }
0xc5: {  	[spmem:s1] =	stream.indirect.scatter.add.f32 [tilespmem:s21], [sflag:$0x3], $0x80, s31, s20, $0xb8;
	[tilespmem:$0x1E0C0] =	vst v63  }
0xc6: {  	_ =	swait.ge [sflag:s18], $0x4000  }
0xc7: {  	s30 =	simm.s32 $0x800;
	s29 =	simm.s32 $0x100;
	[sflag:s18] =	ssyncset.done $0x0  }
.LBB2_10:
0xc8: {  	s0 =	sadd.s32 $0x80, s29  }
0xc9: {  	[sflag:s18] =	ssyncadd.s32 $0xFFFFC000;
	s2 =	smov.u32 s30;
	s31 =	sadd.s32 $0x400, s30  }
0xca: {  	[tilespmem:s21], [sflag:$0x2] =	stream.indirect.gather [hbm4b:s4+s20], $0x80, s0, s20, $0xb8;
	[tilespmem:$0x1E0C0] =	vst v63  }
0xcb: {  	p1 =	sne.s32 s30, $0x4800;
	_ =	swait.ge [sflag:s22], $0x4000  }
0xcc: {  	[sflag:s22] =	ssyncset.done $0x0  }
0xcd: {  	s0 =	sadd.s32 $0x1400, s29;
	[sflag:s22] =	ssyncadd.s32 $0xFFFFC000  }
0xce: {  	[spmem:s1] =	stream.indirect.scatter.add.f32 [tilespmem:s17], [sflag:$0x3], $0x80, s0, s20, $0xb8;
	[tilespmem:$0x1E0C0] =	vst v63  }
0xcf: {  	_ =	swait.ge [sflag:s18], $0x4000  }
0xd0: {  	[sflag:s18] =	ssyncset.done $0x0  }
0xd1: {  	s0 =	sadd.s32 $0x100, s29;
	[sflag:s18] =	ssyncadd.s32 $0xFFFFC000  }
0xd2: {  	[tilespmem:s17], [sflag:$0x1] =	stream.indirect.gather [hbm4b:s4+s20], $0x80, s0, s20, $0xb8;
	[tilespmem:$0x1E0C0] =	vst v63  }
0xd3: {  	_ =	swait.ge [sflag:s23], $0x4000  }
.Ltmp4:
0xd4: {  	[sflag:s23] =	ssyncset.done $0x0;
	(pc) =	sbr.rel @p1 .LBB2_10-.Ltmp4, $4  }
0xd5: {  	s0 =	sadd.s32 $0x1480, s29;
	[sflag:s23] =	ssyncadd.s32 $0xFFFFC000  }
0xd6: {  	[spmem:s1] =	stream.indirect.scatter.add.f32 [tilespmem:s21], [sflag:$0x3], $0x80, s0, s20, $0xb8;
	[tilespmem:$0x1E0C0] =	vst v63  }
0xd7: {  	_ =	swait.ge [sflag:s18], $0x4000  }
0xd8: {  	s30 =	smov.u32 s31;
	s29 =	sshra.s32 s2, $0x2;
	[sflag:s18] =	ssyncset.done $0x0  }
0xd9: {  	s0 =	sadd.s32 $0x80, s29;
	[sflag:s18] =	ssyncadd.s32 $0xFFFFC000  }
0xda: {  	[tilespmem:s21], [sflag:$0x2] =	stream.indirect.gather [hbm4b:s4+s20], $0x80, s0, s20, $0xb8;
	[tilespmem:$0x1E0C0] =	vst v63  }
0xdb: {  	_ =	swait.ge [sflag:s22], $0x4000  }
0xdc: {  	[sflag:s22] =	ssyncset.done $0x0  }
0xdd: {  	s2 =	sadd.s32 $0x1400, s29;
	[sflag:s22] =	ssyncadd.s32 $0xFFFFC000  }
0xde: {  	[spmem:s1] =	stream.indirect.scatter.add.f32 [tilespmem:s17], [sflag:$0x3], $0x80, s2, s20, $0xb8;
	[tilespmem:$0x1E0C0] =	vst v63  }
0xdf: {  	_ =	swait.ge [sflag:s18], $0x4000  }
0xe0: {  	[sflag:s18] =	ssyncset.done $0x0  }
0xe1: {  	s30 =	sadd.s32 $0x100, s29;
	[sflag:s18] =	ssyncadd.s32 $0xFFFFC000  }
0xe2: {  	[tilespmem:s17], [sflag:$0x1] =	stream.indirect.gather [hbm4b:s4+s20], $0x80, s30, s20, $0xb8;
	[tilespmem:$0x1E0C0] =	vst v63  }
0xe3: {  	_ =	swait.ge [sflag:s23], $0x4000  }
0xe4: {  	[sflag:s23] =	ssyncset.done $0x0  }
0xe5: {  	s31 =	sadd.s32 $0x1480, s29;
	[sflag:s23] =	ssyncadd.s32 $0xFFFFC000  }
0xe6: {  	[spmem:s1] =	stream.indirect.scatter.add.f32 [tilespmem:s21], [sflag:$0x3], $0x80, s31, s20, $0xb8;
	[tilespmem:$0x1E0C0] =	vst v63  }
0xe7: {  	_ =	swait.ge [sflag:s18], $0x4000  }
0xe8: {  	[sflag:s18] =	ssyncset.done $0x0  }
0xe9: {  	[sflag:s18] =	ssyncadd.s32 $0xFFFFC000  }
0xea: {  	[tilespmem:s21], [sflag:$0x2] =	stream.indirect.gather [hbm4b:s4+s20], $0x80, s24, s20, $0xb8;
	[tilespmem:$0x1E0C0] =	vst v63  }
0xeb: {  	_ =	swait.ge [sflag:s22], $0x4000  }
0xec: {  	[sflag:s22] =	ssyncset.done $0x0  }
0xed: {  	[sflag:s22] =	ssyncadd.s32 $0xFFFFC000  }
0xee: {  	[spmem:s1] =	stream.indirect.scatter.add.f32 [tilespmem:s17], [sflag:$0x3], $0x80, s26, s20, $0xb8;
	[tilespmem:$0x1E0C0] =	vst v63  }
0xef: {  	_ =	swait.ge [sflag:s18], $0x4000  }
0xf0: {  	[sflag:s18] =	ssyncset.done $0x0  }
0xf1: {  	[sflag:s18] =	ssyncadd.s32 $0xFFFFC000  }
0xf2: {  	_ =	swait.ge [sflag:s23], $0x4000  }
0xf3: {  	[sflag:s23] =	ssyncset.done $0x0  }
0xf4: {  	[sflag:s23] =	ssyncadd.s32 $0xFFFFC000  }
0xf5: {  	[spmem:s1] =	stream.indirect.scatter.add.f32 [tilespmem:s21], [sflag:$0x3], $0x80, s28, s20, $0xb8;
	[tilespmem:$0x1E0C0] =	vst v63  }
0xf6: {  	_ =	swait.ge [sflag:s18], $0x4000  }
0xf7: {  	[sflag:s18] =	ssyncset.done $0x0  }
0xf8: {  	[sflag:s18] =	ssyncadd.s32 $0xFFFFC000  }
0xf9: {  	s0 =	simm.s32 @p0 $0x1FC3;
	[bflag:$0x0] =	sbarrier.arrive $0xFFFF  }
0xfa: {  	[hbm:s15], [sflag:s0] =	dma.local @p0 [spmem:s25], $0x2800  }
0xfb: {  	s0 =	simm.s32 @p0 $0x3  }
0xfc: {  	s3 =	sadd.s32 $0x1, s3;
	s2 =	stileid.u32;
	_ =	swait.ge @p0 [sflag:s0], $0x2800  }
0xfd: {  	p1 =	sne.s32 s3, s16;
	s2 =	sshll.u32 @!p0 s2, $0x6;
	[sflag:s0] =	ssyncset.done @p0 $0x0  }
0xfe: {  	[sflag:s0] =	ssyncadd.s32 @p0 $0xFFFFD800;
	s0 =	sor.u32 @!p0 $0x1C03, s2;
	s2 =	sshrl.u32 @!p0 s5, $0x3  }
0xff: {  	[hbm:s14], [sflag:s0] =	dma.local @!p0 [spmem:s2], $0x2700  }
.Ltmp5:
0x100: {  	_ = 	snop;
	(pc) =	sbr.rel @p1 .LBB2_1-.Ltmp5, $4  }
0x101: {  	s0 =	simm.s32 @!p0 $0x3  }
0x102: {  	_ =	swait.ge @!p0 [sflag:s0], $0x2700  }
0x103: {  	[sflag:s0] =	ssyncset.done @!p0 $0x0  }
0x104: {  	[sflag:s0] =	ssyncadd.s32 @!p0 $0xFFFFD900  }
0x105: {  	_ =	sfence.sel $0x180000  }
0x106: {  	[bflag:$0x0] =	sbarrier.arrive $0xFFFF  }
0x107: {  	_ =	strace $0x9000004A  }
0x108: {  	s0 =	stileid.u32;
	[bflag:$0x2] =	sbarrier.arrive $0xFFFF  }
0x109: {  	p0 =	sne.s32 s0, $0x0;
	s0 =	rddreg [dreg:$0x2]  }
0x10a: {  	s0 =	sadd.s32 @!p0 $0x100000, s0  }
0x10b: {  	[sflag:s0] =	ssyncadd.tile.s32 @!p0 $0x1;
	_ =	shalt  }
.Lfunc_end2:
_tile_overlayer_lowered:
.L_overlay_start_2:
0x10c: {  	(tag) =	ssettag $0x2  }
0x10d: {  	s0 =	rddreg [dreg:$0x0];
	s2 =	stileid.u32  }
0x10e: {  	s1 =	rddreg [dreg:$0x1];
	p0 =	sne.s32 s2, $0x0  }
0x10f: {  	s3 =	rddreg [dreg:$0x2];
	[bflag:$0x3] =	sbarrier.arrive $0xFFFF;
	s2 =	simm.s32 @!p0 $0x1C03  }
0x110: {  	[timem:s3], [sflag:s2] =	dma.local @!p0 [hbm:s0], s1  }
0x111: {  	s0 =	simm.s32 @!p0 $0x3  }
0x112: {  	_ =	swait.ge @!p0 [sflag:s0], s1  }
0x113: {  	s1 =	ssub.s32 @!p0 $0x0, s1;
	[sflag:s0] =	ssyncset.done @!p0 $0x0  }
0x114: {  	[sflag:s0] =	ssyncadd.s32 @!p0 s1  }
0x115: {  	[bflag:$0x3] =	sbarrier.arrive $0xFFFF  }
0x116: {  	_ =	shalt  }

</sc_bundles>
